<compile_context>
chip_gen: v7x
topology: tpu7x:2x2x1
jax: 0.10.2.dev20260603
libtpu: 0.0.44.dev20260713+nightly
codegen_flags: <defaults>
</compile_context>

<pallas_src>
import functools

import jax
import jax.numpy as jnp
from jax import lax
from jax.experimental import pallas as pl
from jax.experimental.pallas import tpu as pltpu
from jax.experimental.pallas import tpu_sc as plsc

N = 10000
D = 128
DOUT = 64
NC = 2
NS = 16
NW = NC * NS
CHUNK = 128
ZCH = 128
N_PAD = 10240
DUMMY = N
ZPT = N_PAD // NS

_f32 = jnp.float32



@functools.lru_cache(maxsize=None)
def _deg_pass(nchunk):
    mesh = plsc.VectorSubcoreMesh(
        core_axis_name="c", subcore_axis_name="s",
        num_cores=NC, num_subcores=NS)

    @functools.partial(
        pl.kernel,
        out_type=jax.ShapeDtypeStruct((NC, N_PAD, D), _f32),
        mesh=mesh,
        scratch_types=[
            pltpu.VMEM((nchunk, CHUNK), jnp.int32),
            pltpu.VMEM((CHUNK, D), _f32),
            pltpu.VMEM_SHARED((N_PAD, D), _f32),
        ],
    )
    def deg(didx_hbm, ones_hbm, z_hbm, out_hbm, idx_v, obuf, acc):
        c = lax.axis_index("c")
        s = lax.axis_index("s")
        wid = c * NS + s
        pltpu.sync_copy(ones_hbm, obuf)
        pltpu.sync_copy(didx_hbm.at[wid], idx_v)

        def zero_step(k, carry):
            pltpu.sync_copy(z_hbm, acc.at[pl.ds(s * ZPT + k * ZCH, ZCH)])
            return carry
        lax.fori_loop(0, ZPT // ZCH, zero_step, 0)
        plsc.subcore_barrier()

        def edge_step(j, carry):
            pltpu.sync_copy(obuf, acc.at[idx_v.at[j]], add=True)
            return carry
        lax.fori_loop(0, nchunk, edge_step, 0)
        plsc.subcore_barrier()

        pltpu.sync_copy(acc.at[pl.ds(s * ZPT, ZPT)],
                        out_hbm.at[c, pl.ds(s * ZPT, ZPT)])

    return deg


@functools.lru_cache(maxsize=None)
def _edge_pass(nchunk):
    mesh = plsc.VectorSubcoreMesh(
        core_axis_name="c", subcore_axis_name="s",
        num_cores=NC, num_subcores=NS)

    @functools.partial(
        pl.kernel,
        out_type=jax.ShapeDtypeStruct((NC, N_PAD, D), _f32),
        mesh=mesh,
        scratch_types=[
            pltpu.VMEM((nchunk, CHUNK), jnp.int32),
            pltpu.VMEM((nchunk, CHUNK), jnp.int32),
            pltpu.VMEM((CHUNK, D), _f32),
            pltpu.VMEM_SHARED((N_PAD, D), _f32),
        ],
    )
    def edge(h_hbm, sidx_hbm, didx_hbm, z_hbm, out_hbm,
             sidx_v, didx_v, rows_v, acc):
        c = lax.axis_index("c")
        s = lax.axis_index("s")
        wid = c * NS + s
        pltpu.sync_copy(sidx_hbm.at[wid], sidx_v)
        pltpu.sync_copy(didx_hbm.at[wid], didx_v)

        def zero_step(k, carry):
            pltpu.sync_copy(z_hbm, acc.at[pl.ds(s * ZPT + k * ZCH, ZCH)])
            return carry
        lax.fori_loop(0, ZPT // ZCH, zero_step, 0)
        plsc.subcore_barrier()

        def edge_step(j, carry):
            pltpu.sync_copy(h_hbm.at[sidx_v.at[j]], rows_v)
            pltpu.sync_copy(rows_v, acc.at[didx_v.at[j]], add=True)
            return carry
        lax.fori_loop(0, nchunk, edge_step, 0)
        plsc.subcore_barrier()

        pltpu.sync_copy(acc.at[pl.ds(s * ZPT, ZPT)],
                        out_hbm.at[c, pl.ds(s * ZPT, ZPT)])

    return edge



_BM = 1000
_GRID = (N // _BM,)


def _dinv_of(dp):
    return lax.rsqrt(1.0 + dp[0, :, 0:1] + dp[1, :, 0:1])


def _t1_body(x_ref, w_ref, dp_ref, hs_ref):
    dinv = _dinv_of(dp_ref[...])
    h = jnp.dot(x_ref[...], w_ref[...], preferred_element_type=_f32)
    hs_ref[...] = h * dinv


def _t2_body(p_ref, hs_ref, dp_ref, b1_ref, wml_ref, h2s_ref):
    p = p_ref[...]
    hs = hs_ref[...]
    dinv = _dinv_of(dp_ref[...])
    h1 = jnp.maximum((p[0] + p[1] + hs) * dinv + b1_ref[...], 0.0)
    h2s_ref[...] = jnp.dot(h1, wml_ref[...], preferred_element_type=_f32) * dinv


def _t3_body(p_ref, h2s_ref, dp_ref, bml_ref, o_ref):
    p = p_ref[...]
    dinv = _dinv_of(dp_ref[...])
    o_ref[...] = (p[0] + p[1] + h2s_ref[...]) * dinv + bml_ref[...]


_spec_rows = pl.BlockSpec((_BM, D), lambda i: (i, 0))
_spec_w = pl.BlockSpec((D, D), lambda i: (0, 0))
_spec_dp = pl.BlockSpec((NC, _BM, D), lambda i: (0, i, 0))
_spec_p = pl.BlockSpec((NC, _BM, D), lambda i: (0, i, 0))
_spec_b = pl.BlockSpec((1, D), lambda i: (0, 0))

_t1 = pl.pallas_call(
    _t1_body, grid=_GRID,
    in_specs=[_spec_rows, _spec_w, _spec_dp],
    out_specs=_spec_rows,
    out_shape=jax.ShapeDtypeStruct((N, D), _f32))

_t2 = pl.pallas_call(
    _t2_body, grid=_GRID,
    in_specs=[_spec_p, _spec_rows, _spec_dp, _spec_b, _spec_w],
    out_specs=_spec_rows,
    out_shape=jax.ShapeDtypeStruct((N, D), _f32))

_t3 = pl.pallas_call(
    _t3_body, grid=_GRID,
    in_specs=[_spec_p, _spec_rows, _spec_dp, _spec_b],
    out_specs=_spec_rows,
    out_shape=jax.ShapeDtypeStruct((N, D), _f32))



def kernel(x, edge_index, W1, b1, Wmu, bmu, Wlv, blv):
    src = edge_index[0]
    dst = edge_index[1]
    E = src.shape[0]
    nchunk = -(-E // (NW * CHUNK))
    e_pad = nchunk * NW * CHUNK
    pad = e_pad - E
    src_p = jnp.concatenate(
        [src, jnp.zeros((pad,), jnp.int32)]).reshape(NW, nchunk, CHUNK)
    dst_p = jnp.concatenate(
        [dst, jnp.full((pad,), DUMMY, jnp.int32)]).reshape(NW, nchunk, CHUNK)

    ones128 = jnp.ones((CHUNK, D), _f32)
    z128 = jnp.zeros((ZCH, D), _f32)

    degp = _deg_pass(nchunk)(dst_p, ones128, z128)
    hs = _t1(x, W1, degp)
    part1 = _edge_pass(nchunk)(hs, src_p, dst_p, z128)

    Wml = jnp.concatenate([Wmu, Wlv], axis=1)
    bml = jnp.concatenate([bmu, blv]).reshape(1, D)
    h2s = _t2(part1, hs, degp, b1.reshape(1, D), Wml)
    part2 = _edge_pass(nchunk)(h2s, src_p, dst_p, z128)
    o = _t3(part2, h2s, degp, bml)

    return o[:, :DOUT], o[:, DOUT:]

# --- scband reference (transcript-rebuilt; emitter-appended) ---
"""Pipeline reference for scband-gcnencoder-11862699671809 (READ-ONLY COPY).

The authoritative reference and input builder live on the scoring server;
editing this copy changes nothing except your own understanding.
"""

import jax, jax.numpy as jnp
import numpy as np

N = 10000
E = 320000
DIN = 128
DH = 128
DOUT = 64


def gcn_conv(x, src, dst, W, b, n):
    # GCNConv with symmetric normalization and self-loops (self-loops already appended to src/dst)
    h = x @ W
    deg = jnp.zeros((n,), dtype=x.dtype).at[dst].add(1.0)
    dinv = jnp.where(deg > 0, deg ** -0.5, 0.0)
    norm = dinv[src] * dinv[dst]
    msg = h[src] * norm[:, None]
    out = jnp.zeros((n, h.shape[1]), dtype=x.dtype).at[dst].add(msg)
    return out + b


def setup_inputs(seed: int = 0) -> dict:
    key = jax.random.key(seed)
    ks = jax.random.split(key, 8)
    x = jax.random.normal(ks[0], (N, DIN), dtype=jnp.float32)
    edge_index = jax.random.randint(ks[1], (2, E), 0, N, dtype=jnp.int32)
    g1 = float(np.sqrt(2.0 / (DIN + DH)))
    g2 = float(np.sqrt(2.0 / (DH + DOUT)))
    W1 = jax.random.normal(ks[2], (DIN, DH), dtype=jnp.float32) * g1
    b1 = jnp.zeros((DH,), dtype=jnp.float32)
    Wmu = jax.random.normal(ks[3], (DH, DOUT), dtype=jnp.float32) * g2
    bmu = jnp.zeros((DOUT,), dtype=jnp.float32)
    Wlv = jax.random.normal(ks[4], (DH, DOUT), dtype=jnp.float32) * g2
    blv = jnp.zeros((DOUT,), dtype=jnp.float32)
    return {"x": x, "edge_index": edge_index, "W1": W1, "b1": b1, "Wmu": Wmu, "bmu": bmu, "Wlv": Wlv, "blv": blv}


def reference(x, edge_index, W1, b1, Wmu, bmu, Wlv, blv):
    sl = jnp.arange(N, dtype=edge_index.dtype)
    src = jnp.concatenate([edge_index[0], sl])
    dst = jnp.concatenate([edge_index[1], sl])
    h = jax.nn.relu(gcn_conv(x, src, dst, W1, b1, N))
    # dropout=0.0 -> no-op
    mu = gcn_conv(h, src, dst, Wmu, bmu, N)
    logvar = gcn_conv(h, src, dst, Wlv, blv, N)
    return (mu, logvar)

if __name__ == "__main__":
    import jax
    _d = setup_inputs()
    print(jax.jit(kernel)(*tuple(_d.values())))

</pallas_src>

<mosaic_0001>
#map = affine_map<(d0, d1) -> (0, 0)>
#map1 = affine_map<(d0, d1) -> (0, 0, 0)>
module attributes {stable_mosaic.version = 14 : i64} {
  func.func @edge(%arg0: i32, %arg1: i32, %arg2: memref<10000x128xf32, #tpu.memory_space<hbm>>, %arg3: memref<32x79x128xi32, #tpu.memory_space<hbm>>, %arg4: memref<32x79x128xi32, #tpu.memory_space<hbm>>, %arg5: memref<128x128xf32, #tpu.memory_space<hbm>>, %arg6: memref<2x10240x128xf32, #tpu.memory_space<hbm>>, %arg7: memref<79x128xi32, #tpu.memory_space<vmem>>, %arg8: memref<79x128xi32, #tpu.memory_space<vmem>>, %arg9: memref<128x128xf32, #tpu.memory_space<vmem>>, %arg10: memref<10240x128xf32, #tpu.memory_space<vmem_shared>>) attributes {dimension_semantics = [#tpu.dimension_semantics<core_parallel>, #tpu.dimension_semantics<subcore_parallel>], iteration_bounds = array<i64: 2, 16>, scalar_prefetch = 0 : i64, scratch_operands = 4 : i64, tpu.core_type = #tpu.core_type<sc_vector_subcore>, window_params = [{transform_indices = #map}, {transform_indices = #map1}, {transform_indices = #map1}, {transform_indices = #map}, {transform_indices = #map1}]} {
    %mul3A = arith.constant 16 : i32
    %mul3A_0 = arith.muli %arg0, %mul3A : i32
    %add3A = arith.addi %mul3A_0, %arg1 : i32
    "tpu.region"() ({
      %run_scoped3A = tpu.sem_alloc : memref<!tpu.dma_semaphore, #tpu.memory_space<semaphore_mem>>
      %dma_start3A = arith.constant 0 : i32
      %dma_start3A_17 = arith.constant 0 : i32
      %dma_start3A_18 = tpu.memref_slice %arg3[%add3A, %dma_start3A, %dma_start3A_17] : memref<32x79x128xi32, #tpu.memory_space<hbm>> -> memref<1x79x128xi32, #tpu.memory_space<hbm>>
      %dma_start3A_19 = tpu.memref_squeeze %dma_start3A_18 : memref<1x79x128xi32, #tpu.memory_space<hbm>> -> memref<79x128xi32, #tpu.memory_space<hbm>>
      %dma_start3A_20 = arith.constant 0 : i32
      %dma_start3A_21 = arith.constant 0 : i32
      %dma_start3A_22 = tpu.memref_slice %arg3[%add3A, %dma_start3A_20, %dma_start3A_21] : memref<32x79x128xi32, #tpu.memory_space<hbm>> -> memref<1x79x128xi32, #tpu.memory_space<hbm>>
      %dma_start3A_23 = tpu.memref_squeeze %dma_start3A_22 : memref<1x79x128xi32, #tpu.memory_space<hbm>> -> memref<79x128xi32, #tpu.memory_space<hbm>>
      tpu.enqueue_dma source(%dma_start3A_23 : memref<79x128xi32, #tpu.memory_space<hbm>>) target(%arg7 : memref<79x128xi32, #tpu.memory_space<vmem>>) target_semaphore(%run_scoped3A : memref<!tpu.dma_semaphore, #tpu.memory_space<semaphore_mem>>)
      %dma_wait3A = arith.constant 0 : i32
      %dma_wait3A_24 = arith.constant 0 : i32
      %dma_wait3A_25 = tpu.memref_slice %arg3[%add3A, %dma_wait3A, %dma_wait3A_24] : memref<32x79x128xi32, #tpu.memory_space<hbm>> -> memref<1x79x128xi32, #tpu.memory_space<hbm>>
      %dma_wait3A_26 = tpu.memref_squeeze %dma_wait3A_25 : memref<1x79x128xi32, #tpu.memory_space<hbm>> -> memref<79x128xi32, #tpu.memory_space<hbm>>
      %dma_wait3A_27 = arith.constant 0 : i32
      %dma_wait3A_28 = arith.constant 0 : i32
      %dma_wait3A_29 = tpu.memref_slice %arg3[%add3A, %dma_wait3A_27, %dma_wait3A_28] : memref<32x79x128xi32, #tpu.memory_space<hbm>> -> memref<1x79x128xi32, #tpu.memory_space<hbm>>
      %dma_wait3A_30 = tpu.memref_squeeze %dma_wait3A_29 : memref<1x79x128xi32, #tpu.memory_space<hbm>> -> memref<79x128xi32, #tpu.memory_space<hbm>>
      tpu.wait_dma2 semaphore(%run_scoped3A : memref<!tpu.dma_semaphore, #tpu.memory_space<semaphore_mem>>) src(%dma_wait3A_30 : memref<79x128xi32, #tpu.memory_space<hbm>>) dst(%arg7 : memref<79x128xi32, #tpu.memory_space<vmem>>)
      tpu.yield
    }) : () -> ()
    "tpu.region"() ({
      %run_scoped3A = tpu.sem_alloc : memref<!tpu.dma_semaphore, #tpu.memory_space<semaphore_mem>>
      %dma_start3A = arith.constant 0 : i32
      %dma_start3A_17 = arith.constant 0 : i32
      %dma_start3A_18 = tpu.memref_slice %arg4[%add3A, %dma_start3A, %dma_start3A_17] : memref<32x79x128xi32, #tpu.memory_space<hbm>> -> memref<1x79x128xi32, #tpu.memory_space<hbm>>
      %dma_start3A_19 = tpu.memref_squeeze %dma_start3A_18 : memref<1x79x128xi32, #tpu.memory_space<hbm>> -> memref<79x128xi32, #tpu.memory_space<hbm>>
      %dma_start3A_20 = arith.constant 0 : i32
      %dma_start3A_21 = arith.constant 0 : i32
      %dma_start3A_22 = tpu.memref_slice %arg4[%add3A, %dma_start3A_20, %dma_start3A_21] : memref<32x79x128xi32, #tpu.memory_space<hbm>> -> memref<1x79x128xi32, #tpu.memory_space<hbm>>
      %dma_start3A_23 = tpu.memref_squeeze %dma_start3A_22 : memref<1x79x128xi32, #tpu.memory_space<hbm>> -> memref<79x128xi32, #tpu.memory_space<hbm>>
      tpu.enqueue_dma source(%dma_start3A_23 : memref<79x128xi32, #tpu.memory_space<hbm>>) target(%arg8 : memref<79x128xi32, #tpu.memory_space<vmem>>) target_semaphore(%run_scoped3A : memref<!tpu.dma_semaphore, #tpu.memory_space<semaphore_mem>>)
      %dma_wait3A = arith.constant 0 : i32
      %dma_wait3A_24 = arith.constant 0 : i32
      %dma_wait3A_25 = tpu.memref_slice %arg4[%add3A, %dma_wait3A, %dma_wait3A_24] : memref<32x79x128xi32, #tpu.memory_space<hbm>> -> memref<1x79x128xi32, #tpu.memory_space<hbm>>
      %dma_wait3A_26 = tpu.memref_squeeze %dma_wait3A_25 : memref<1x79x128xi32, #tpu.memory_space<hbm>> -> memref<79x128xi32, #tpu.memory_space<hbm>>
      %dma_wait3A_27 = arith.constant 0 : i32
      %dma_wait3A_28 = arith.constant 0 : i32
      %dma_wait3A_29 = tpu.memref_slice %arg4[%add3A, %dma_wait3A_27, %dma_wait3A_28] : memref<32x79x128xi32, #tpu.memory_space<hbm>> -> memref<1x79x128xi32, #tpu.memory_space<hbm>>
      %dma_wait3A_30 = tpu.memref_squeeze %dma_wait3A_29 : memref<1x79x128xi32, #tpu.memory_space<hbm>> -> memref<79x128xi32, #tpu.memory_space<hbm>>
      tpu.wait_dma2 semaphore(%run_scoped3A : memref<!tpu.dma_semaphore, #tpu.memory_space<semaphore_mem>>) src(%dma_wait3A_30 : memref<79x128xi32, #tpu.memory_space<hbm>>) dst(%arg8 : memref<79x128xi32, #tpu.memory_space<vmem>>)
      tpu.yield
    }) : () -> ()
    %scan3A = arith.constant 0 : i32
    %scan3A_1 = arith.constant 0 : i32
    %scan3A_2 = arith.constant 5 : i32
    %scan3A_3 = arith.addi %scan3A_1, %scan3A_2 : i32
    %scan3A_4 = arith.constant 1 : i32
    scf.for %scan3A_17 = %scan3A_1 to %scan3A_3 step %scan3A_4  : i32 {
      %mul3A_18 = arith.constant 640 : i32
      %mul3A_19 = arith.muli %arg1, %mul3A_18 : i32
      %mul3A_20 = arith.constant 128 : i32
      %mul3A_21 = arith.muli %scan3A_17, %mul3A_20 : i32
      %add3A_22 = arith.addi %mul3A_19, %mul3A_21 : i32
      "tpu.region"() ({
        %run_scoped3A = tpu.sem_alloc : memref<!tpu.dma_semaphore, #tpu.memory_space<semaphore_mem>>
        %dma_start3A = arith.constant 0 : i32
        %dma_start3A_23 = tpu.memref_slice %arg10[%add3A_22, %dma_start3A] : memref<10240x128xf32, #tpu.memory_space<vmem_shared>> -> memref<128x128xf32, #tpu.memory_space<vmem_shared>>
        tpu.enqueue_dma source(%arg5 : memref<128x128xf32, #tpu.memory_space<hbm>>) target(%dma_start3A_23 : memref<128x128xf32, #tpu.memory_space<vmem_shared>>) target_semaphore(%run_scoped3A : memref<!tpu.dma_semaphore, #tpu.memory_space<semaphore_mem>>)
        %dma_wait3A = arith.constant 0 : i32
        %dma_wait3A_24 = tpu.memref_slice %arg10[%add3A_22, %dma_wait3A] : memref<10240x128xf32, #tpu.memory_space<vmem_shared>> -> memref<128x128xf32, #tpu.memory_space<vmem_shared>>
        tpu.wait_dma2 semaphore(%run_scoped3A : memref<!tpu.dma_semaphore, #tpu.memory_space<semaphore_mem>>) src(%arg5 : memref<128x128xf32, #tpu.memory_space<hbm>>) dst(%dma_wait3A_24 : memref<128x128xf32, #tpu.memory_space<vmem_shared>>)
        tpu.yield
      }) : () -> ()
    }
    %scan3A_5 = arith.constant 5 : i32
    %barrier3A = arith.constant 0 : index
    tpu.barrier barrier_id(%barrier3A)
    %scan3A_6 = arith.constant 0 : i32
    %scan3A_7 = arith.constant 0 : i32
    %scan3A_8 = arith.constant 79 : i32
    %scan3A_9 = arith.addi %scan3A_7, %scan3A_8 : i32
    %scan3A_10 = arith.constant 1 : i32
    scf.for %scan3A_17 = %scan3A_7 to %scan3A_9 step %scan3A_10  : i32 {
      "tpu.region"() ({
        %run_scoped3A = tpu.sem_alloc : memref<!tpu.dma_semaphore, #tpu.memory_space<semaphore_mem>>
        %dma_start3A = arith.constant 0 : i32
        %dma_start3A_18 = tpu.memref_slice %arg7[%scan3A_17, %dma_start3A] : memref<79x128xi32, #tpu.memory_space<vmem>> -> memref<1x128xi32, #tpu.memory_space<vmem>>
        %dma_start3A_19 = tpu.memref_squeeze %dma_start3A_18 : memref<1x128xi32, #tpu.memory_space<vmem>> -> memref<128xi32, #tpu.memory_space<vmem>>
        %dma_start3A_20 = arith.constant 0 : i32
        %dma_start3A_21 = arith.constant 0 : i32
        %dma_start3A_22 = tpu.memref_slice %arg2[%dma_start3A_20, %dma_start3A_21] : memref<10000x128xf32, #tpu.memory_space<hbm>> -> memref<10000x128xf32, #tpu.memory_space<hbm>>
        tpu.enqueue_indirect_dma source(%dma_start3A_22 : memref<10000x128xf32, #tpu.memory_space<hbm>>) target(%arg9 : memref<128x128xf32, #tpu.memory_space<vmem>>) offsets(%dma_start3A_19 : memref<128xi32, #tpu.memory_space<vmem>>) semaphore(%run_scoped3A : memref<!tpu.dma_semaphore, #tpu.memory_space<semaphore_mem>>)
        %dma_wait3A = arith.constant 0 : i32
        %dma_wait3A_23 = tpu.memref_slice %arg7[%scan3A_17, %dma_wait3A] : memref<79x128xi32, #tpu.memory_space<vmem>> -> memref<1x128xi32, #tpu.memory_space<vmem>>
        %dma_wait3A_24 = tpu.memref_squeeze %dma_wait3A_23 : memref<1x128xi32, #tpu.memory_space<vmem>> -> memref<128xi32, #tpu.memory_space<vmem>>
        %dma_wait3A_25 = arith.constant 0 : i32
        %dma_wait3A_26 = arith.constant 0 : i32
        %dma_wait3A_27 = tpu.memref_slice %arg2[%dma_wait3A_25, %dma_wait3A_26] : memref<10000x128xf32, #tpu.memory_space<hbm>> -> memref<10000x128xf32, #tpu.memory_space<hbm>>
        tpu.wait_indirect_dma semaphore(%run_scoped3A : memref<!tpu.dma_semaphore, #tpu.memory_space<semaphore_mem>>) src(%dma_wait3A_27 : memref<10000x128xf32, #tpu.memory_space<hbm>>) dst(%arg9 : memref<128x128xf32, #tpu.memory_space<vmem>>)
        tpu.yield
      }) : () -> ()
      "tpu.region"() ({
        %run_scoped3A = tpu.sem_alloc : memref<!tpu.dma_semaphore, #tpu.memory_space<semaphore_mem>>
        %dma_start3A = arith.constant 0 : i32
        %dma_start3A_18 = tpu.memref_slice %arg8[%scan3A_17, %dma_start3A] : memref<79x128xi32, #tpu.memory_space<vmem>> -> memref<1x128xi32, #tpu.memory_space<vmem>>
        %dma_start3A_19 = tpu.memref_squeeze %dma_start3A_18 : memref<1x128xi32, #tpu.memory_space<vmem>> -> memref<128xi32, #tpu.memory_space<vmem>>
        %dma_start3A_20 = arith.constant 0 : i32
        %dma_start3A_21 = arith.constant 0 : i32
        %dma_start3A_22 = tpu.memref_slice %arg10[%dma_start3A_20, %dma_start3A_21] : memref<10240x128xf32, #tpu.memory_space<vmem_shared>> -> memref<10240x128xf32, #tpu.memory_space<vmem_shared>>
        tpu.enqueue_indirect_dma source(%arg9 : memref<128x128xf32, #tpu.memory_space<vmem>>) target(%dma_start3A_22 : memref<10240x128xf32, #tpu.memory_space<vmem_shared>>) offsets(%dma_start3A_19 : memref<128xi32, #tpu.memory_space<vmem>>) semaphore(%run_scoped3A : memref<!tpu.dma_semaphore, #tpu.memory_space<semaphore_mem>>) {add = true}
        %dma_wait3A = arith.constant 0 : i32
        %dma_wait3A_23 = tpu.memref_slice %arg8[%scan3A_17, %dma_wait3A] : memref<79x128xi32, #tpu.memory_space<vmem>> -> memref<1x128xi32, #tpu.memory_space<vmem>>
        %dma_wait3A_24 = tpu.memref_squeeze %dma_wait3A_23 : memref<1x128xi32, #tpu.memory_space<vmem>> -> memref<128xi32, #tpu.memory_space<vmem>>
        %dma_wait3A_25 = arith.constant 0 : i32
        %dma_wait3A_26 = arith.constant 0 : i32
        %dma_wait3A_27 = tpu.memref_slice %arg10[%dma_wait3A_25, %dma_wait3A_26] : memref<10240x128xf32, #tpu.memory_space<vmem_shared>> -> memref<10240x128xf32, #tpu.memory_space<vmem_shared>>
        tpu.wait_indirect_dma semaphore(%run_scoped3A : memref<!tpu.dma_semaphore, #tpu.memory_space<semaphore_mem>>) src(%arg9 : memref<128x128xf32, #tpu.memory_space<vmem>>) dst(%dma_wait3A_27 : memref<10240x128xf32, #tpu.memory_space<vmem_shared>>)
        tpu.yield
      }) : () -> ()
    }
    %scan3A_11 = arith.constant 79 : i32
    %barrier3A_12 = arith.constant 0 : index
    tpu.barrier barrier_id(%barrier3A_12)
    %mul3A_13 = arith.constant 640 : i32
    %mul3A_14 = arith.muli %arg1, %mul3A_13 : i32
    %mul3A_15 = arith.constant 640 : i32
    %mul3A_16 = arith.muli %arg1, %mul3A_15 : i32
    "tpu.region"() ({
      %run_scoped3A = tpu.sem_alloc : memref<!tpu.dma_semaphore, #tpu.memory_space<semaphore_mem>>
      %dma_start3A = arith.constant 0 : i32
      %dma_start3A_17 = tpu.memref_slice %arg6[%arg0, %mul3A_16, %dma_start3A] : memref<2x10240x128xf32, #tpu.memory_space<hbm>> -> memref<1x640x128xf32, #tpu.memory_space<hbm>>
      %dma_start3A_18 = tpu.memref_squeeze %dma_start3A_17 : memref<1x640x128xf32, #tpu.memory_space<hbm>> -> memref<640x128xf32, #tpu.memory_space<hbm>>
      %dma_start3A_19 = arith.constant 0 : i32
      %dma_start3A_20 = tpu.memref_slice %arg10[%mul3A_14, %dma_start3A_19] : memref<10240x128xf32, #tpu.memory_space<vmem_shared>> -> memref<640x128xf32, #tpu.memory_space<vmem_shared>>
      tpu.enqueue_dma source(%dma_start3A_20 : memref<640x128xf32, #tpu.memory_space<vmem_shared>>) target(%dma_start3A_18 : memref<640x128xf32, #tpu.memory_space<hbm>>) target_semaphore(%run_scoped3A : memref<!tpu.dma_semaphore, #tpu.memory_space<semaphore_mem>>)
      %dma_wait3A = arith.constant 0 : i32
      %dma_wait3A_21 = tpu.memref_slice %arg6[%arg0, %mul3A_16, %dma_wait3A] : memref<2x10240x128xf32, #tpu.memory_space<hbm>> -> memref<1x640x128xf32, #tpu.memory_space<hbm>>
      %dma_wait3A_22 = tpu.memref_squeeze %dma_wait3A_21 : memref<1x640x128xf32, #tpu.memory_space<hbm>> -> memref<640x128xf32, #tpu.memory_space<hbm>>
      %dma_wait3A_23 = arith.constant 0 : i32
      %dma_wait3A_24 = tpu.memref_slice %arg10[%mul3A_14, %dma_wait3A_23] : memref<10240x128xf32, #tpu.memory_space<vmem_shared>> -> memref<640x128xf32, #tpu.memory_space<vmem_shared>>
      tpu.wait_dma2 semaphore(%run_scoped3A : memref<!tpu.dma_semaphore, #tpu.memory_space<semaphore_mem>>) src(%dma_wait3A_24 : memref<640x128xf32, #tpu.memory_space<vmem_shared>>) dst(%dma_wait3A_22 : memref<640x128xf32, #tpu.memory_space<hbm>>)
      tpu.yield
    }) : () -> ()
    return
  }
}

#map = affine_map<(d0, d1) -> (0, 0)>
#map1 = affine_map<(d0, d1) -> (0, 0, 0)>
module attributes {stable_mosaic.version = 14 : i64} {
  func.func @edge(%arg0: i32, %arg1: i32, %arg2: memref<10000x128xf32, #tpu.memory_space<hbm>>, %arg3: memref<32x79x128xi32, #tpu.memory_space<hbm>>, %arg4: memref<32x79x128xi32, #tpu.memory_space<hbm>>, %arg5: memref<128x128xf32, #tpu.memory_space<hbm>>, %arg6: memref<2x10240x128xf32, #tpu.memory_space<hbm>>, %arg7: memref<79x128xi32, #tpu.memory_space<vmem>>, %arg8: memref<79x128xi32, #tpu.memory_space<vmem>>, %arg9: memref<128x128xf32, #tpu.memory_space<vmem>>, %arg10: memref<10240x128xf32, #tpu.memory_space<vmem_shared>>) attributes {dimension_semantics = [#tpu.dimension_semantics<core_parallel>, #tpu.dimension_semantics<subcore_parallel>], iteration_bounds = array<i64: 2, 16>, scalar_prefetch = 0 : i64, scratch_operands = 4 : i64, tpu.core_type = #tpu.core_type<sc_vector_subcore>, window_params = [{transform_indices = #map}, {transform_indices = #map1}, {transform_indices = #map1}, {transform_indices = #map}, {transform_indices = #map1}]} {
    %mul3A = arith.constant 16 : i32
    %mul3A_0 = arith.muli %arg0, %mul3A : i32
    %add3A = arith.addi %mul3A_0, %arg1 : i32
    "tpu.region"() ({
      %run_scoped3A = tpu.sem_alloc : memref<!tpu.dma_semaphore, #tpu.memory_space<semaphore_mem>>
      %dma_start3A = arith.constant 0 : i32
      %dma_start3A_17 = arith.constant 0 : i32
      %dma_start3A_18 = tpu.memref_slice %arg3[%add3A, %dma_start3A, %dma_start3A_17] : memref<32x79x128xi32, #tpu.memory_space<hbm>> -> memref<1x79x128xi32, #tpu.memory_space<hbm>>
      %dma_start3A_19 = tpu.memref_squeeze %dma_start3A_18 : memref<1x79x128xi32, #tpu.memory_space<hbm>> -> memref<79x128xi32, #tpu.memory_space<hbm>>
      %dma_start3A_20 = arith.constant 0 : i32
      %dma_start3A_21 = arith.constant 0 : i32
      %dma_start3A_22 = tpu.memref_slice %arg3[%add3A, %dma_start3A_20, %dma_start3A_21] : memref<32x79x128xi32, #tpu.memory_space<hbm>> -> memref<1x79x128xi32, #tpu.memory_space<hbm>>
      %dma_start3A_23 = tpu.memref_squeeze %dma_start3A_22 : memref<1x79x128xi32, #tpu.memory_space<hbm>> -> memref<79x128xi32, #tpu.memory_space<hbm>>
      tpu.enqueue_dma source(%dma_start3A_23 : memref<79x128xi32, #tpu.memory_space<hbm>>) target(%arg7 : memref<79x128xi32, #tpu.memory_space<vmem>>) target_semaphore(%run_scoped3A : memref<!tpu.dma_semaphore, #tpu.memory_space<semaphore_mem>>)
      %dma_wait3A = arith.constant 0 : i32
      %dma_wait3A_24 = arith.constant 0 : i32
      %dma_wait3A_25 = tpu.memref_slice %arg3[%add3A, %dma_wait3A, %dma_wait3A_24] : memref<32x79x128xi32, #tpu.memory_space<hbm>> -> memref<1x79x128xi32, #tpu.memory_space<hbm>>
      %dma_wait3A_26 = tpu.memref_squeeze %dma_wait3A_25 : memref<1x79x128xi32, #tpu.memory_space<hbm>> -> memref<79x128xi32, #tpu.memory_space<hbm>>
      %dma_wait3A_27 = arith.constant 0 : i32
      %dma_wait3A_28 = arith.constant 0 : i32
      %dma_wait3A_29 = tpu.memref_slice %arg3[%add3A, %dma_wait3A_27, %dma_wait3A_28] : memref<32x79x128xi32, #tpu.memory_space<hbm>> -> memref<1x79x128xi32, #tpu.memory_space<hbm>>
      %dma_wait3A_30 = tpu.memref_squeeze %dma_wait3A_29 : memref<1x79x128xi32, #tpu.memory_space<hbm>> -> memref<79x128xi32, #tpu.memory_space<hbm>>
      tpu.wait_dma2 semaphore(%run_scoped3A : memref<!tpu.dma_semaphore, #tpu.memory_space<semaphore_mem>>) src(%dma_wait3A_30 : memref<79x128xi32, #tpu.memory_space<hbm>>) dst(%arg7 : memref<79x128xi32, #tpu.memory_space<vmem>>)
      tpu.yield
    }) : () -> ()
    "tpu.region"() ({
      %run_scoped3A = tpu.sem_alloc : memref<!tpu.dma_semaphore, #tpu.memory_space<semaphore_mem>>
      %dma_start3A = arith.constant 0 : i32
      %dma_start3A_17 = arith.constant 0 : i32
      %dma_start3A_18 = tpu.memref_slice %arg4[%add3A, %dma_start3A, %dma_start3A_17] : memref<32x79x128xi32, #tpu.memory_space<hbm>> -> memref<1x79x128xi32, #tpu.memory_space<hbm>>
      %dma_start3A_19 = tpu.memref_squeeze %dma_start3A_18 : memref<1x79x128xi32, #tpu.memory_space<hbm>> -> memref<79x128xi32, #tpu.memory_space<hbm>>
      %dma_start3A_20 = arith.constant 0 : i32
      %dma_start3A_21 = arith.constant 0 : i32
      %dma_start3A_22 = tpu.memref_slice %arg4[%add3A, %dma_start3A_20, %dma_start3A_21] : memref<32x79x128xi32, #tpu.memory_space<hbm>> -> memref<1x79x128xi32, #tpu.memory_space<hbm>>
      %dma_start3A_23 = tpu.memref_squeeze %dma_start3A_22 : memref<1x79x128xi32, #tpu.memory_space<hbm>> -> memref<79x128xi32, #tpu.memory_space<hbm>>
      tpu.enqueue_dma source(%dma_start3A_23 : memref<79x128xi32, #tpu.memory_space<hbm>>) target(%arg8 : memref<79x128xi32, #tpu.memory_space<vmem>>) target_semaphore(%run_scoped3A : memref<!tpu.dma_semaphore, #tpu.memory_space<semaphore_mem>>)
      %dma_wait3A = arith.constant 0 : i32
      %dma_wait3A_24 = arith.constant 0 : i32
      %dma_wait3A_25 = tpu.memref_slice %arg4[%add3A, %dma_wait3A, %dma_wait3A_24] : memref<32x79x128xi32, #tpu.memory_space<hbm>> -> memref<1x79x128xi32, #tpu.memory_space<hbm>>
      %dma_wait3A_26 = tpu.memref_squeeze %dma_wait3A_25 : memref<1x79x128xi32, #tpu.memory_space<hbm>> -> memref<79x128xi32, #tpu.memory_space<hbm>>
      %dma_wait3A_27 = arith.constant 0 : i32
      %dma_wait3A_28 = arith.constant 0 : i32
      %dma_wait3A_29 = tpu.memref_slice %arg4[%add3A, %dma_wait3A_27, %dma_wait3A_28] : memref<32x79x128xi32, #tpu.memory_space<hbm>> -> memref<1x79x128xi32, #tpu.memory_space<hbm>>
      %dma_wait3A_30 = tpu.memref_squeeze %dma_wait3A_29 : memref<1x79x128xi32, #tpu.memory_space<hbm>> -> memref<79x128xi32, #tpu.memory_space<hbm>>
      tpu.wait_dma2 semaphore(%run_scoped3A : memref<!tpu.dma_semaphore, #tpu.memory_space<semaphore_mem>>) src(%dma_wait3A_30 : memref<79x128xi32, #tpu.memory_space<hbm>>) dst(%arg8 : memref<79x128xi32, #tpu.memory_space<vmem>>)
      tpu.yield
    }) : () -> ()
    %scan3A = arith.constant 0 : i32
    %scan3A_1 = arith.constant 0 : i32
    %scan3A_2 = arith.constant 5 : i32
    %scan3A_3 = arith.addi %scan3A_1, %scan3A_2 : i32
    %scan3A_4 = arith.constant 1 : i32
    scf.for %scan3A_17 = %scan3A_1 to %scan3A_3 step %scan3A_4  : i32 {
      %mul3A_18 = arith.constant 640 : i32
      %mul3A_19 = arith.muli %arg1, %mul3A_18 : i32
      %mul3A_20 = arith.constant 128 : i32
      %mul3A_21 = arith.muli %scan3A_17, %mul3A_20 : i32
      %add3A_22 = arith.addi %mul3A_19, %mul3A_21 : i32
      "tpu.region"() ({
        %run_scoped3A = tpu.sem_alloc : memref<!tpu.dma_semaphore, #tpu.memory_space<semaphore_mem>>
        %dma_start3A = arith.constant 0 : i32
        %dma_start3A_23 = tpu.memref_slice %arg10[%add3A_22, %dma_start3A] : memref<10240x128xf32, #tpu.memory_space<vmem_shared>> -> memref<128x128xf32, #tpu.memory_space<vmem_shared>>
        tpu.enqueue_dma source(%arg5 : memref<128x128xf32, #tpu.memory_space<hbm>>) target(%dma_start3A_23 : memref<128x128xf32, #tpu.memory_space<vmem_shared>>) target_semaphore(%run_scoped3A : memref<!tpu.dma_semaphore, #tpu.memory_space<semaphore_mem>>)
        %dma_wait3A = arith.constant 0 : i32
        %dma_wait3A_24 = tpu.memref_slice %arg10[%add3A_22, %dma_wait3A] : memref<10240x128xf32, #tpu.memory_space<vmem_shared>> -> memref<128x128xf32, #tpu.memory_space<vmem_shared>>
        tpu.wait_dma2 semaphore(%run_scoped3A : memref<!tpu.dma_semaphore, #tpu.memory_space<semaphore_mem>>) src(%arg5 : memref<128x128xf32, #tpu.memory_space<hbm>>) dst(%dma_wait3A_24 : memref<128x128xf32, #tpu.memory_space<vmem_shared>>)
        tpu.yield
      }) : () -> ()
    }
    %scan3A_5 = arith.constant 5 : i32
    %barrier3A = arith.constant 0 : index
    tpu.barrier barrier_id(%barrier3A)
    %scan3A_6 = arith.constant 0 : i32
    %scan3A_7 = arith.constant 0 : i32
    %scan3A_8 = arith.constant 79 : i32
    %scan3A_9 = arith.addi %scan3A_7, %scan3A_8 : i32
    %scan3A_10 = arith.constant 1 : i32
    scf.for %scan3A_17 = %scan3A_7 to %scan3A_9 step %scan3A_10  : i32 {
      "tpu.region"() ({
        %run_scoped3A = tpu.sem_alloc : memref<!tpu.dma_semaphore, #tpu.memory_space<semaphore_mem>>
        %dma_start3A = arith.constant 0 : i32
        %dma_start3A_18 = tpu.memref_slice %arg7[%scan3A_17, %dma_start3A] : memref<79x128xi32, #tpu.memory_space<vmem>> -> memref<1x128xi32, #tpu.memory_space<vmem>>
        %dma_start3A_19 = tpu.memref_squeeze %dma_start3A_18 : memref<1x128xi32, #tpu.memory_space<vmem>> -> memref<128xi32, #tpu.memory_space<vmem>>
        %dma_start3A_20 = arith.constant 0 : i32
        %dma_start3A_21 = arith.constant 0 : i32
        %dma_start3A_22 = tpu.memref_slice %arg2[%dma_start3A_20, %dma_start3A_21] : memref<10000x128xf32, #tpu.memory_space<hbm>> -> memref<10000x128xf32, #tpu.memory_space<hbm>>
        tpu.enqueue_indirect_dma source(%dma_start3A_22 : memref<10000x128xf32, #tpu.memory_space<hbm>>) target(%arg9 : memref<128x128xf32, #tpu.memory_space<vmem>>) offsets(%dma_start3A_19 : memref<128xi32, #tpu.memory_space<vmem>>) semaphore(%run_scoped3A : memref<!tpu.dma_semaphore, #tpu.memory_space<semaphore_mem>>)
        %dma_wait3A = arith.constant 0 : i32
        %dma_wait3A_23 = tpu.memref_slice %arg7[%scan3A_17, %dma_wait3A] : memref<79x128xi32, #tpu.memory_space<vmem>> -> memref<1x128xi32, #tpu.memory_space<vmem>>
        %dma_wait3A_24 = tpu.memref_squeeze %dma_wait3A_23 : memref<1x128xi32, #tpu.memory_space<vmem>> -> memref<128xi32, #tpu.memory_space<vmem>>
        %dma_wait3A_25 = arith.constant 0 : i32
        %dma_wait3A_26 = arith.constant 0 : i32
        %dma_wait3A_27 = tpu.memref_slice %arg2[%dma_wait3A_25, %dma_wait3A_26] : memref<10000x128xf32, #tpu.memory_space<hbm>> -> memref<10000x128xf32, #tpu.memory_space<hbm>>
        tpu.wait_indirect_dma semaphore(%run_scoped3A : memref<!tpu.dma_semaphore, #tpu.memory_space<semaphore_mem>>) src(%dma_wait3A_27 : memref<10000x128xf32, #tpu.memory_space<hbm>>) dst(%arg9 : memref<128x128xf32, #tpu.memory_space<vmem>>)
        tpu.yield
      }) : () -> ()
      "tpu.region"() ({
        %run_scoped3A = tpu.sem_alloc : memref<!tpu.dma_semaphore, #tpu.memory_space<semaphore_mem>>
        %dma_start3A = arith.constant 0 : i32
        %dma_start3A_18 = tpu.memref_slice %arg8[%scan3A_17, %dma_start3A] : memref<79x128xi32, #tpu.memory_space<vmem>> -> memref<1x128xi32, #tpu.memory_space<vmem>>
        %dma_start3A_19 = tpu.memref_squeeze %dma_start3A_18 : memref<1x128xi32, #tpu.memory_space<vmem>> -> memref<128xi32, #tpu.memory_space<vmem>>
        %dma_start3A_20 = arith.constant 0 : i32
        %dma_start3A_21 = arith.constant 0 : i32
        %dma_start3A_22 = tpu.memref_slice %arg10[%dma_start3A_20, %dma_start3A_21] : memref<10240x128xf32, #tpu.memory_space<vmem_shared>> -> memref<10240x128xf32, #tpu.memory_space<vmem_shared>>
        tpu.enqueue_indirect_dma source(%arg9 : memref<128x128xf32, #tpu.memory_space<vmem>>) target(%dma_start3A_22 : memref<10240x128xf32, #tpu.memory_space<vmem_shared>>) offsets(%dma_start3A_19 : memref<128xi32, #tpu.memory_space<vmem>>) semaphore(%run_scoped3A : memref<!tpu.dma_semaphore, #tpu.memory_space<semaphore_mem>>) {add = true}
        %dma_wait3A = arith.constant 0 : i32
        %dma_wait3A_23 = tpu.memref_slice %arg8[%scan3A_17, %dma_wait3A] : memref<79x128xi32, #tpu.memory_space<vmem>> -> memref<1x128xi32, #tpu.memory_space<vmem>>
        %dma_wait3A_24 = tpu.memref_squeeze %dma_wait3A_23 : memref<1x128xi32, #tpu.memory_space<vmem>> -> memref<128xi32, #tpu.memory_space<vmem>>
        %dma_wait3A_25 = arith.constant 0 : i32
        %dma_wait3A_26 = arith.constant 0 : i32
        %dma_wait3A_27 = tpu.memref_slice %arg10[%dma_wait3A_25, %dma_wait3A_26] : memref<10240x128xf32, #tpu.memory_space<vmem_shared>> -> memref<10240x128xf32, #tpu.memory_space<vmem_shared>>
        tpu.wait_indirect_dma semaphore(%run_scoped3A : memref<!tpu.dma_semaphore, #tpu.memory_space<semaphore_mem>>) src(%arg9 : memref<128x128xf32, #tpu.memory_space<vmem>>) dst(%dma_wait3A_27 : memref<10240x128xf32, #tpu.memory_space<vmem_shared>>)
        tpu.yield
      }) : () -> ()
    }
    %scan3A_11 = arith.constant 79 : i32
    %barrier3A_12 = arith.constant 0 : index
    tpu.barrier barrier_id(%barrier3A_12)
    %mul3A_13 = arith.constant 640 : i32
    %mul3A_14 = arith.muli %arg1, %mul3A_13 : i32
    %mul3A_15 = arith.constant 640 : i32
    %mul3A_16 = arith.muli %arg1, %mul3A_15 : i32
    "tpu.region"() ({
      %run_scoped3A = tpu.sem_alloc : memref<!tpu.dma_semaphore, #tpu.memory_space<semaphore_mem>>
      %dma_start3A = arith.constant 0 : i32
      %dma_start3A_17 = tpu.memref_slice %arg6[%arg0, %mul3A_16, %dma_start3A] : memref<2x10240x128xf32, #tpu.memory_space<hbm>> -> memref<1x640x128xf32, #tpu.memory_space<hbm>>
      %dma_start3A_18 = tpu.memref_squeeze %dma_start3A_17 : memref<1x640x128xf32, #tpu.memory_space<hbm>> -> memref<640x128xf32, #tpu.memory_space<hbm>>
      %dma_start3A_19 = arith.constant 0 : i32
      %dma_start3A_20 = tpu.memref_slice %arg10[%mul3A_14, %dma_start3A_19] : memref<10240x128xf32, #tpu.memory_space<vmem_shared>> -> memref<640x128xf32, #tpu.memory_space<vmem_shared>>
      tpu.enqueue_dma source(%dma_start3A_20 : memref<640x128xf32, #tpu.memory_space<vmem_shared>>) target(%dma_start3A_18 : memref<640x128xf32, #tpu.memory_space<hbm>>) target_semaphore(%run_scoped3A : memref<!tpu.dma_semaphore, #tpu.memory_space<semaphore_mem>>)
      %dma_wait3A = arith.constant 0 : i32
      %dma_wait3A_21 = tpu.memref_slice %arg6[%arg0, %mul3A_16, %dma_wait3A] : memref<2x10240x128xf32, #tpu.memory_space<hbm>> -> memref<1x640x128xf32, #tpu.memory_space<hbm>>
      %dma_wait3A_22 = tpu.memref_squeeze %dma_wait3A_21 : memref<1x640x128xf32, #tpu.memory_space<hbm>> -> memref<640x128xf32, #tpu.memory_space<hbm>>
      %dma_wait3A_23 = arith.constant 0 : i32
      %dma_wait3A_24 = tpu.memref_slice %arg10[%mul3A_14, %dma_wait3A_23] : memref<10240x128xf32, #tpu.memory_space<vmem_shared>> -> memref<640x128xf32, #tpu.memory_space<vmem_shared>>
      tpu.wait_dma2 semaphore(%run_scoped3A : memref<!tpu.dma_semaphore, #tpu.memory_space<semaphore_mem>>) src(%dma_wait3A_24 : memref<640x128xf32, #tpu.memory_space<vmem_shared>>) dst(%dma_wait3A_22 : memref<640x128xf32, #tpu.memory_space<hbm>>)
      tpu.yield
    }) : () -> ()
    return
  }
}

#map = affine_map<(d0, d1) -> (0, 0, 0)>
#map1 = affine_map<(d0, d1) -> (0, 0)>
module attributes {stable_mosaic.version = 14 : i64} {
  func.func @deg(%arg0: i32, %arg1: i32, %arg2: memref<32x79x128xi32, #tpu.memory_space<hbm>>, %arg3: memref<128x128xf32, #tpu.memory_space<hbm>>, %arg4: memref<128x128xf32, #tpu.memory_space<hbm>>, %arg5: memref<2x10240x128xf32, #tpu.memory_space<hbm>>, %arg6: memref<79x128xi32, #tpu.memory_space<vmem>>, %arg7: memref<128x128xf32, #tpu.memory_space<vmem>>, %arg8: memref<10240x128xf32, #tpu.memory_space<vmem_shared>>) attributes {dimension_semantics = [#tpu.dimension_semantics<core_parallel>, #tpu.dimension_semantics<subcore_parallel>], iteration_bounds = array<i64: 2, 16>, scalar_prefetch = 0 : i64, scratch_operands = 3 : i64, tpu.core_type = #tpu.core_type<sc_vector_subcore>, window_params = [{transform_indices = #map}, {transform_indices = #map1}, {transform_indices = #map1}, {transform_indices = #map}]} {
    %mul3A = arith.constant 16 : i32
    %mul3A_0 = arith.muli %arg0, %mul3A : i32
    %add3A = arith.addi %mul3A_0, %arg1 : i32
    "tpu.region"() ({
      %run_scoped3A = tpu.sem_alloc : memref<!tpu.dma_semaphore, #tpu.memory_space<semaphore_mem>>
      tpu.enqueue_dma source(%arg3 : memref<128x128xf32, #tpu.memory_space<hbm>>) target(%arg7 : memref<128x128xf32, #tpu.memory_space<vmem>>) target_semaphore(%run_scoped3A : memref<!tpu.dma_semaphore, #tpu.memory_space<semaphore_mem>>)
      tpu.wait_dma2 semaphore(%run_scoped3A : memref<!tpu.dma_semaphore, #tpu.memory_space<semaphore_mem>>) src(%arg3 : memref<128x128xf32, #tpu.memory_space<hbm>>) dst(%arg7 : memref<128x128xf32, #tpu.memory_space<vmem>>)
      tpu.yield
    }) : () -> ()
    "tpu.region"() ({
      %run_scoped3A = tpu.sem_alloc : memref<!tpu.dma_semaphore, #tpu.memory_space<semaphore_mem>>
      %dma_start3A = arith.constant 0 : i32
      %dma_start3A_17 = arith.constant 0 : i32
      %dma_start3A_18 = tpu.memref_slice %arg2[%add3A, %dma_start3A, %dma_start3A_17] : memref<32x79x128xi32, #tpu.memory_space<hbm>> -> memref<1x79x128xi32, #tpu.memory_space<hbm>>
      %dma_start3A_19 = tpu.memref_squeeze %dma_start3A_18 : memref<1x79x128xi32, #tpu.memory_space<hbm>> -> memref<79x128xi32, #tpu.memory_space<hbm>>
      %dma_start3A_20 = arith.constant 0 : i32
      %dma_start3A_21 = arith.constant 0 : i32
      %dma_start3A_22 = tpu.memref_slice %arg2[%add3A, %dma_start3A_20, %dma_start3A_21] : memref<32x79x128xi32, #tpu.memory_space<hbm>> -> memref<1x79x128xi32, #tpu.memory_space<hbm>>
      %dma_start3A_23 = tpu.memref_squeeze %dma_start3A_22 : memref<1x79x128xi32, #tpu.memory_space<hbm>> -> memref<79x128xi32, #tpu.memory_space<hbm>>
      tpu.enqueue_dma source(%dma_start3A_23 : memref<79x128xi32, #tpu.memory_space<hbm>>) target(%arg6 : memref<79x128xi32, #tpu.memory_space<vmem>>) target_semaphore(%run_scoped3A : memref<!tpu.dma_semaphore, #tpu.memory_space<semaphore_mem>>)
      %dma_wait3A = arith.constant 0 : i32
      %dma_wait3A_24 = arith.constant 0 : i32
      %dma_wait3A_25 = tpu.memref_slice %arg2[%add3A, %dma_wait3A, %dma_wait3A_24] : memref<32x79x128xi32, #tpu.memory_space<hbm>> -> memref<1x79x128xi32, #tpu.memory_space<hbm>>
      %dma_wait3A_26 = tpu.memref_squeeze %dma_wait3A_25 : memref<1x79x128xi32, #tpu.memory_space<hbm>> -> memref<79x128xi32, #tpu.memory_space<hbm>>
      %dma_wait3A_27 = arith.constant 0 : i32
      %dma_wait3A_28 = arith.constant 0 : i32
      %dma_wait3A_29 = tpu.memref_slice %arg2[%add3A, %dma_wait3A_27, %dma_wait3A_28] : memref<32x79x128xi32, #tpu.memory_space<hbm>> -> memref<1x79x128xi32, #tpu.memory_space<hbm>>
      %dma_wait3A_30 = tpu.memref_squeeze %dma_wait3A_29 : memref<1x79x128xi32, #tpu.memory_space<hbm>> -> memref<79x128xi32, #tpu.memory_space<hbm>>
      tpu.wait_dma2 semaphore(%run_scoped3A : memref<!tpu.dma_semaphore, #tpu.memory_space<semaphore_mem>>) src(%dma_wait3A_30 : memref<79x128xi32, #tpu.memory_space<hbm>>) dst(%arg6 : memref<79x128xi32, #tpu.memory_space<vmem>>)
      tpu.yield
    }) : () -> ()
    %scan3A = arith.constant 0 : i32
    %scan3A_1 = arith.constant 0 : i32
    %scan3A_2 = arith.constant 5 : i32
    %scan3A_3 = arith.addi %scan3A_1, %scan3A_2 : i32
    %scan3A_4 = arith.constant 1 : i32
    scf.for %scan3A_17 = %scan3A_1 to %scan3A_3 step %scan3A_4  : i32 {
      %mul3A_18 = arith.constant 640 : i32
      %mul3A_19 = arith.muli %arg1, %mul3A_18 : i32
      %mul3A_20 = arith.constant 128 : i32
      %mul3A_21 = arith.muli %scan3A_17, %mul3A_20 : i32
      %add3A_22 = arith.addi %mul3A_19, %mul3A_21 : i32
      "tpu.region"() ({
        %run_scoped3A = tpu.sem_alloc : memref<!tpu.dma_semaphore, #tpu.memory_space<semaphore_mem>>
        %dma_start3A = arith.constant 0 : i32
        %dma_start3A_23 = tpu.memref_slice %arg8[%add3A_22, %dma_start3A] : memref<10240x128xf32, #tpu.memory_space<vmem_shared>> -> memref<128x128xf32, #tpu.memory_space<vmem_shared>>
        tpu.enqueue_dma source(%arg4 : memref<128x128xf32, #tpu.memory_space<hbm>>) target(%dma_start3A_23 : memref<128x128xf32, #tpu.memory_space<vmem_shared>>) target_semaphore(%run_scoped3A : memref<!tpu.dma_semaphore, #tpu.memory_space<semaphore_mem>>)
        %dma_wait3A = arith.constant 0 : i32
        %dma_wait3A_24 = tpu.memref_slice %arg8[%add3A_22, %dma_wait3A] : memref<10240x128xf32, #tpu.memory_space<vmem_shared>> -> memref<128x128xf32, #tpu.memory_space<vmem_shared>>
        tpu.wait_dma2 semaphore(%run_scoped3A : memref<!tpu.dma_semaphore, #tpu.memory_space<semaphore_mem>>) src(%arg4 : memref<128x128xf32, #tpu.memory_space<hbm>>) dst(%dma_wait3A_24 : memref<128x128xf32, #tpu.memory_space<vmem_shared>>)
        tpu.yield
      }) : () -> ()
    }
    %scan3A_5 = arith.constant 5 : i32
    %barrier3A = arith.constant 0 : index
    tpu.barrier barrier_id(%barrier3A)
    %scan3A_6 = arith.constant 0 : i32
    %scan3A_7 = arith.constant 0 : i32
    %scan3A_8 = arith.constant 79 : i32
    %scan3A_9 = arith.addi %scan3A_7, %scan3A_8 : i32
    %scan3A_10 = arith.constant 1 : i32
    scf.for %scan3A_17 = %scan3A_7 to %scan3A_9 step %scan3A_10  : i32 {
      "tpu.region"() ({
        %run_scoped3A = tpu.sem_alloc : memref<!tpu.dma_semaphore, #tpu.memory_space<semaphore_mem>>
        %dma_start3A = arith.constant 0 : i32
        %dma_start3A_18 = tpu.memref_slice %arg6[%scan3A_17, %dma_start3A] : memref<79x128xi32, #tpu.memory_space<vmem>> -> memref<1x128xi32, #tpu.memory_space<vmem>>
        %dma_start3A_19 = tpu.memref_squeeze %dma_start3A_18 : memref<1x128xi32, #tpu.memory_space<vmem>> -> memref<128xi32, #tpu.memory_space<vmem>>
        %dma_start3A_20 = arith.constant 0 : i32
        %dma_start3A_21 = arith.constant 0 : i32
        %dma_start3A_22 = tpu.memref_slice %arg8[%dma_start3A_20, %dma_start3A_21] : memref<10240x128xf32, #tpu.memory_space<vmem_shared>> -> memref<10240x128xf32, #tpu.memory_space<vmem_shared>>
        tpu.enqueue_indirect_dma source(%arg7 : memref<128x128xf32, #tpu.memory_space<vmem>>) target(%dma_start3A_22 : memref<10240x128xf32, #tpu.memory_space<vmem_shared>>) offsets(%dma_start3A_19 : memref<128xi32, #tpu.memory_space<vmem>>) semaphore(%run_scoped3A : memref<!tpu.dma_semaphore, #tpu.memory_space<semaphore_mem>>) {add = true}
        %dma_wait3A = arith.constant 0 : i32
        %dma_wait3A_23 = tpu.memref_slice %arg6[%scan3A_17, %dma_wait3A] : memref<79x128xi32, #tpu.memory_space<vmem>> -> memref<1x128xi32, #tpu.memory_space<vmem>>
        %dma_wait3A_24 = tpu.memref_squeeze %dma_wait3A_23 : memref<1x128xi32, #tpu.memory_space<vmem>> -> memref<128xi32, #tpu.memory_space<vmem>>
        %dma_wait3A_25 = arith.constant 0 : i32
        %dma_wait3A_26 = arith.constant 0 : i32
        %dma_wait3A_27 = tpu.memref_slice %arg8[%dma_wait3A_25, %dma_wait3A_26] : memref<10240x128xf32, #tpu.memory_space<vmem_shared>> -> memref<10240x128xf32, #tpu.memory_space<vmem_shared>>
        tpu.wait_indirect_dma semaphore(%run_scoped3A : memref<!tpu.dma_semaphore, #tpu.memory_space<semaphore_mem>>) src(%arg7 : memref<128x128xf32, #tpu.memory_space<vmem>>) dst(%dma_wait3A_27 : memref<10240x128xf32, #tpu.memory_space<vmem_shared>>)
        tpu.yield
      }) : () -> ()
    }
    %scan3A_11 = arith.constant 79 : i32
    %barrier3A_12 = arith.constant 0 : index
    tpu.barrier barrier_id(%barrier3A_12)
    %mul3A_13 = arith.constant 640 : i32
    %mul3A_14 = arith.muli %arg1, %mul3A_13 : i32
    %mul3A_15 = arith.constant 640 : i32
    %mul3A_16 = arith.muli %arg1, %mul3A_15 : i32
    "tpu.region"() ({
      %run_scoped3A = tpu.sem_alloc : memref<!tpu.dma_semaphore, #tpu.memory_space<semaphore_mem>>
      %dma_start3A = arith.constant 0 : i32
      %dma_start3A_17 = tpu.memref_slice %arg5[%arg0, %mul3A_16, %dma_start3A] : memref<2x10240x128xf32, #tpu.memory_space<hbm>> -> memref<1x640x128xf32, #tpu.memory_space<hbm>>
      %dma_start3A_18 = tpu.memref_squeeze %dma_start3A_17 : memref<1x640x128xf32, #tpu.memory_space<hbm>> -> memref<640x128xf32, #tpu.memory_space<hbm>>
      %dma_start3A_19 = arith.constant 0 : i32
      %dma_start3A_20 = tpu.memref_slice %arg8[%mul3A_14, %dma_start3A_19] : memref<10240x128xf32, #tpu.memory_space<vmem_shared>> -> memref<640x128xf32, #tpu.memory_space<vmem_shared>>
      tpu.enqueue_dma source(%dma_start3A_20 : memref<640x128xf32, #tpu.memory_space<vmem_shared>>) target(%dma_start3A_18 : memref<640x128xf32, #tpu.memory_space<hbm>>) target_semaphore(%run_scoped3A : memref<!tpu.dma_semaphore, #tpu.memory_space<semaphore_mem>>)
      %dma_wait3A = arith.constant 0 : i32
      %dma_wait3A_21 = tpu.memref_slice %arg5[%arg0, %mul3A_16, %dma_wait3A] : memref<2x10240x128xf32, #tpu.memory_space<hbm>> -> memref<1x640x128xf32, #tpu.memory_space<hbm>>
      %dma_wait3A_22 = tpu.memref_squeeze %dma_wait3A_21 : memref<1x640x128xf32, #tpu.memory_space<hbm>> -> memref<640x128xf32, #tpu.memory_space<hbm>>
      %dma_wait3A_23 = arith.constant 0 : i32
      %dma_wait3A_24 = tpu.memref_slice %arg8[%mul3A_14, %dma_wait3A_23] : memref<10240x128xf32, #tpu.memory_space<vmem_shared>> -> memref<640x128xf32, #tpu.memory_space<vmem_shared>>
      tpu.wait_dma2 semaphore(%run_scoped3A : memref<!tpu.dma_semaphore, #tpu.memory_space<semaphore_mem>>) src(%dma_wait3A_24 : memref<640x128xf32, #tpu.memory_space<vmem_shared>>) dst(%dma_wait3A_22 : memref<640x128xf32, #tpu.memory_space<hbm>>)
      tpu.yield
    }) : () -> ()
    return
  }
}

module attributes {stable_mosaic.version = 14 : i64} {
  func.func @_t1_body(%arg0: i32, %arg1: memref<1000x128xf32, #tpu.memory_space<vmem>>, %arg2: memref<128x128xf32, #tpu.memory_space<vmem>>, %arg3: memref<2x1000x128xf32, #tpu.memory_space<vmem>>, %arg4: memref<1000x128xf32, #tpu.memory_space<vmem>>) attributes {dimension_semantics = [#tpu.dimension_semantics<arbitrary>], iteration_bounds = array<i64: 10>, scalar_prefetch = 0 : i64, scratch_operands = 0 : i64, tpu.core_type = #tpu.core_type<tc>, window_params = [{transform_indices = @transform_0, window_bounds = array<i64: 1000, 128>}, {pipeline_mode = #tpu.pipeline_mode<synchronous>, transform_indices = @transform_1, window_bounds = array<i64: 128, 128>}, {transform_indices = @transform_2, window_bounds = array<i64: 2, 1000, 128>}, {transform_indices = @transform_3, window_bounds = array<i64: 1000, 128>}]} {
    %get3A = arith.constant 0 : index
    %get3A_0 = arith.constant 0 : index
    %get3A_1 = arith.constant 0 : index
    %get3A_2 = vector.load %arg3[%get3A, %get3A_0, %get3A_1] : memref<2x1000x128xf32, #tpu.memory_space<vmem>>, vector<2x1000x128xf32>
    %slice3A = vector.extract_strided_slice %get3A_2 {offsets = [0, 0, 0], sizes = [1, 1000, 1], strides = [1, 1, 1]} : vector<2x1000x128xf32> to vector<1x1000x1xf32>
    %squeeze3A = vector.shape_cast %slice3A : vector<1x1000x1xf32> to vector<1000x1xf32>
    %add3A = arith.constant 1.000000e+00 : f32
    %add3A_3 = vector.broadcast %add3A : f32 to vector<1000x1xf32>
    %add3A_4 = arith.addf %add3A_3, %squeeze3A : vector<1000x1xf32>
    %slice3A_5 = vector.extract_strided_slice %get3A_2 {offsets = [1, 0, 0], sizes = [1, 1000, 1], strides = [1, 1, 1]} : vector<2x1000x128xf32> to vector<1x1000x1xf32>
    %squeeze3A_6 = vector.shape_cast %slice3A_5 : vector<1x1000x1xf32> to vector<1000x1xf32>
    %add3A_7 = arith.addf %add3A_4, %squeeze3A_6 : vector<1000x1xf32>
    %rsqrt3A = math.rsqrt %add3A_7 : vector<1000x1xf32>
    %get3A_8 = arith.constant 0 : index
    %get3A_9 = arith.constant 0 : index
    %get3A_10 = vector.load %arg1[%get3A_8, %get3A_9] : memref<1000x128xf32, #tpu.memory_space<vmem>>, vector<1000x128xf32>
    %get3A_11 = arith.constant 0 : index
    %get3A_12 = arith.constant 0 : index
    %get3A_13 = vector.load %arg2[%get3A_11, %get3A_12] : memref<128x128xf32, #tpu.memory_space<vmem>>, vector<128x128xf32>
    %dot_general3A = arith.constant dense<0.000000e+00> : vector<1000x128xf32>
    %dot_general3A_14 = tpu.matmul %get3A_10, %get3A_13, %dot_general3A {dimension_numbers = #tpu.dot_dimension_numbers<[1], [0], [0], [1], [0, 0, 1, 1], [], []>, transpose_lhs_hint = false} : vector<1000x128xf32>, vector<128x128xf32>, vector<1000x128xf32> -> vector<1000x128xf32>
    %mul3A = vector.broadcast %rsqrt3A : vector<1000x1xf32> to vector<1000x128xf32>
    %mul3A_15 = arith.mulf %dot_general3A_14, %mul3A : vector<1000x128xf32>
    %swap3A = arith.constant 0 : index
    %swap3A_16 = arith.constant 0 : index
    %swap3A_17 = vector.load %arg4[%swap3A, %swap3A_16] : memref<1000x128xf32, #tpu.memory_space<vmem>>, vector<1000x128xf32>
    tpu.vector_store %arg4[%swap3A, %swap3A_16], %mul3A_15 {strides = array<i32>} : memref<1000x128xf32, #tpu.memory_space<vmem>>, vector<1000x128xf32>,
    return
  }
  func.func @transform_0(%arg0: i32) -> (i32, i32) {
    %c0_i32 = arith.constant 0 : i32
    %c0_i32_0 = arith.constant 0 : i32
    return %arg0, %c0_i32 : i32, i32
  }
  func.func @transform_1(%arg0: i32) -> (i32, i32) {
    %c0_i32 = arith.constant 0 : i32
    %c0_i32_0 = arith.constant 0 : i32
    %c0_i32_1 = arith.constant 0 : i32
    return %c0_i32, %c0_i32_0 : i32, i32
  }
  func.func @transform_2(%arg0: i32) -> (i32, i32, i32) {
    %c0_i32 = arith.constant 0 : i32
    %c0_i32_0 = arith.constant 0 : i32
    %c0_i32_1 = arith.constant 0 : i32
    return %c0_i32, %arg0, %c0_i32_0 : i32, i32, i32
  }
  func.func @transform_3(%arg0: i32) -> (i32, i32) {
    %c0_i32 = arith.constant 0 : i32
    %c0_i32_0 = arith.constant 0 : i32
    return %arg0, %c0_i32 : i32, i32
  }
}

module attributes {stable_mosaic.version = 14 : i64} {
  func.func @_t2_body(%arg0: i32, %arg1: memref<2x1000x128xf32, #tpu.memory_space<vmem>>, %arg2: memref<1000x128xf32, #tpu.memory_space<vmem>>, %arg3: memref<2x1000x128xf32, #tpu.memory_space<vmem>>, %arg4: memref<1x128xf32, #tpu.memory_space<vmem>>, %arg5: memref<128x128xf32, #tpu.memory_space<vmem>>, %arg6: memref<1000x128xf32, #tpu.memory_space<vmem>>) attributes {dimension_semantics = [#tpu.dimension_semantics<arbitrary>], iteration_bounds = array<i64: 10>, scalar_prefetch = 0 : i64, scratch_operands = 0 : i64, tpu.core_type = #tpu.core_type<tc>, window_params = [{transform_indices = @transform_0, window_bounds = array<i64: 2, 1000, 128>}, {transform_indices = @transform_1, window_bounds = array<i64: 1000, 128>}, {transform_indices = @transform_2, window_bounds = array<i64: 2, 1000, 128>}, {pipeline_mode = #tpu.pipeline_mode<synchronous>, transform_indices = @transform_3, window_bounds = array<i64: 1, 128>}, {pipeline_mode = #tpu.pipeline_mode<synchronous>, transform_indices = @transform_4, window_bounds = array<i64: 128, 128>}, {transform_indices = @transform_5, window_bounds = array<i64: 1000, 128>}]} {
    %get3A = arith.constant 0 : index
    %get3A_0 = arith.constant 0 : index
    %get3A_1 = arith.constant 0 : index
    %get3A_2 = vector.load %arg1[%get3A, %get3A_0, %get3A_1] : memref<2x1000x128xf32, #tpu.memory_space<vmem>>, vector<2x1000x128xf32>
    %get3A_3 = arith.constant 0 : index
    %get3A_4 = arith.constant 0 : index
    %get3A_5 = vector.load %arg2[%get3A_3, %get3A_4] : memref<1000x128xf32, #tpu.memory_space<vmem>>, vector<1000x128xf32>
    %get3A_6 = arith.constant 0 : index
    %get3A_7 = arith.constant 0 : index
    %get3A_8 = arith.constant 0 : index
    %get3A_9 = vector.load %arg3[%get3A_6, %get3A_7, %get3A_8] : memref<2x1000x128xf32, #tpu.memory_space<vmem>>, vector<2x1000x128xf32>
    %slice3A = vector.extract_strided_slice %get3A_9 {offsets = [0, 0, 0], sizes = [1, 1000, 1], strides = [1, 1, 1]} : vector<2x1000x128xf32> to vector<1x1000x1xf32>
    %squeeze3A = vector.shape_cast %slice3A : vector<1x1000x1xf32> to vector<1000x1xf32>
    %add3A = arith.constant 1.000000e+00 : f32
    %add3A_10 = vector.broadcast %add3A : f32 to vector<1000x1xf32>
    %add3A_11 = arith.addf %add3A_10, %squeeze3A : vector<1000x1xf32>
    %slice3A_12 = vector.extract_strided_slice %get3A_9 {offsets = [1, 0, 0], sizes = [1, 1000, 1], strides = [1, 1, 1]} : vector<2x1000x128xf32> to vector<1x1000x1xf32>
    %squeeze3A_13 = vector.shape_cast %slice3A_12 : vector<1x1000x1xf32> to vector<1000x1xf32>
    %add3A_14 = arith.addf %add3A_11, %squeeze3A_13 : vector<1000x1xf32>
    %rsqrt3A = math.rsqrt %add3A_14 : vector<1000x1xf32>
    %slice3A_15 = vector.extract_strided_slice %get3A_2 {offsets = [0, 0, 0], sizes = [1, 1000, 128], strides = [1, 1, 1]} : vector<2x1000x128xf32> to vector<1x1000x128xf32>
    %squeeze3A_16 = vector.shape_cast %slice3A_15 : vector<1x1000x128xf32> to vector<1000x128xf32>
    %slice3A_17 = vector.extract_strided_slice %get3A_2 {offsets = [1, 0, 0], sizes = [1, 1000, 128], strides = [1, 1, 1]} : vector<2x1000x128xf32> to vector<1x1000x128xf32>
    %squeeze3A_18 = vector.shape_cast %slice3A_17 : vector<1x1000x128xf32> to vector<1000x128xf32>
    %add3A_19 = arith.addf %squeeze3A_16, %squeeze3A_18 : vector<1000x128xf32>
    %add3A_20 = arith.addf %add3A_19, %get3A_5 : vector<1000x128xf32>
    %mul3A = vector.broadcast %rsqrt3A : vector<1000x1xf32> to vector<1000x128xf32>
    %mul3A_21 = arith.mulf %add3A_20, %mul3A : vector<1000x128xf32>
    %get3A_22 = arith.constant 0 : index
    %get3A_23 = arith.constant 0 : index
    %get3A_24 = vector.load %arg4[%get3A_22, %get3A_23] : memref<1x128xf32, #tpu.memory_space<vmem>>, vector<1x128xf32>
    %add3A_25 = vector.broadcast %get3A_24 : vector<1x128xf32> to vector<1000x128xf32>
    %add3A_26 = arith.addf %mul3A_21, %add3A_25 : vector<1000x128xf32>
    %max3A = arith.constant 0.000000e+00 : f32
    %max3A_27 = vector.broadcast %max3A : f32 to vector<1000x128xf32>
    %max3A_28 = arith.maximumf %add3A_26, %max3A_27 : vector<1000x128xf32>
    %get3A_29 = arith.constant 0 : index
    %get3A_30 = arith.constant 0 : index
    %get3A_31 = vector.load %arg5[%get3A_29, %get3A_30] : memref<128x128xf32, #tpu.memory_space<vmem>>, vector<128x128xf32>
    %dot_general3A = arith.constant dense<0.000000e+00> : vector<1000x128xf32>
    %dot_general3A_32 = tpu.matmul %max3A_28, %get3A_31, %dot_general3A {dimension_numbers = #tpu.dot_dimension_numbers<[1], [0], [0], [1], [0, 0, 1, 1], [], []>, transpose_lhs_hint = false} : vector<1000x128xf32>, vector<128x128xf32>, vector<1000x128xf32> -> vector<1000x128xf32>
    %mul3A_33 = vector.broadcast %rsqrt3A : vector<1000x1xf32> to vector<1000x128xf32>
    %mul3A_34 = arith.mulf %dot_general3A_32, %mul3A_33 : vector<1000x128xf32>
    %swap3A = arith.constant 0 : index
    %swap3A_35 = arith.constant 0 : index
    %swap3A_36 = vector.load %arg6[%swap3A, %swap3A_35] : memref<1000x128xf32, #tpu.memory_space<vmem>>, vector<1000x128xf32>
    tpu.vector_store %arg6[%swap3A, %swap3A_35], %mul3A_34 {strides = array<i32>} : memref<1000x128xf32, #tpu.memory_space<vmem>>, vector<1000x128xf32>,
    return
  }
  func.func @transform_0(%arg0: i32) -> (i32, i32, i32) {
    %c0_i32 = arith.constant 0 : i32
    %c0_i32_0 = arith.constant 0 : i32
    %c0_i32_1 = arith.constant 0 : i32
    return %c0_i32, %arg0, %c0_i32_0 : i32, i32, i32
  }
  func.func @transform_1(%arg0: i32) -> (i32, i32) {
    %c0_i32 = arith.constant 0 : i32
    %c0_i32_0 = arith.constant 0 : i32
    return %arg0, %c0_i32 : i32, i32
  }
  func.func @transform_2(%arg0: i32) -> (i32, i32, i32) {
    %c0_i32 = arith.constant 0 : i32
    %c0_i32_0 = arith.constant 0 : i32
    %c0_i32_1 = arith.constant 0 : i32
    return %c0_i32, %arg0, %c0_i32_0 : i32, i32, i32
  }
  func.func @transform_3(%arg0: i32) -> (i32, i32) {
    %c0_i32 = arith.constant 0 : i32
    %c0_i32_0 = arith.constant 0 : i32
    %c0_i32_1 = arith.constant 0 : i32
    return %c0_i32, %c0_i32_0 : i32, i32
  }
  func.func @transform_4(%arg0: i32) -> (i32, i32) {
    %c0_i32 = arith.constant 0 : i32
    %c0_i32_0 = arith.constant 0 : i32
    %c0_i32_1 = arith.constant 0 : i32
    return %c0_i32, %c0_i32_0 : i32, i32
  }
  func.func @transform_5(%arg0: i32) -> (i32, i32) {
    %c0_i32 = arith.constant 0 : i32
    %c0_i32_0 = arith.constant 0 : i32
    return %arg0, %c0_i32 : i32, i32
  }
}

module attributes {stable_mosaic.version = 14 : i64} {
  func.func @_t3_body(%arg0: i32, %arg1: memref<2x1000x128xf32, #tpu.memory_space<vmem>>, %arg2: memref<1000x128xf32, #tpu.memory_space<vmem>>, %arg3: memref<2x1000x128xf32, #tpu.memory_space<vmem>>, %arg4: memref<1x128xf32, #tpu.memory_space<vmem>>, %arg5: memref<1000x128xf32, #tpu.memory_space<vmem>>) attributes {dimension_semantics = [#tpu.dimension_semantics<arbitrary>], iteration_bounds = array<i64: 10>, scalar_prefetch = 0 : i64, scratch_operands = 0 : i64, tpu.core_type = #tpu.core_type<tc>, window_params = [{transform_indices = @transform_0, window_bounds = array<i64: 2, 1000, 128>}, {transform_indices = @transform_1, window_bounds = array<i64: 1000, 128>}, {transform_indices = @transform_2, window_bounds = array<i64: 2, 1000, 128>}, {pipeline_mode = #tpu.pipeline_mode<synchronous>, transform_indices = @transform_3, window_bounds = array<i64: 1, 128>}, {transform_indices = @transform_4, window_bounds = array<i64: 1000, 128>}]} {
    %get3A = arith.constant 0 : index
    %get3A_0 = arith.constant 0 : index
    %get3A_1 = arith.constant 0 : index
    %get3A_2 = vector.load %arg1[%get3A, %get3A_0, %get3A_1] : memref<2x1000x128xf32, #tpu.memory_space<vmem>>, vector<2x1000x128xf32>
    %get3A_3 = arith.constant 0 : index
    %get3A_4 = arith.constant 0 : index
    %get3A_5 = arith.constant 0 : index
    %get3A_6 = vector.load %arg3[%get3A_3, %get3A_4, %get3A_5] : memref<2x1000x128xf32, #tpu.memory_space<vmem>>, vector<2x1000x128xf32>
    %slice3A = vector.extract_strided_slice %get3A_6 {offsets = [0, 0, 0], sizes = [1, 1000, 1], strides = [1, 1, 1]} : vector<2x1000x128xf32> to vector<1x1000x1xf32>
    %squeeze3A = vector.shape_cast %slice3A : vector<1x1000x1xf32> to vector<1000x1xf32>
    %add3A = arith.constant 1.000000e+00 : f32
    %add3A_7 = vector.broadcast %add3A : f32 to vector<1000x1xf32>
    %add3A_8 = arith.addf %add3A_7, %squeeze3A : vector<1000x1xf32>
    %slice3A_9 = vector.extract_strided_slice %get3A_6 {offsets = [1, 0, 0], sizes = [1, 1000, 1], strides = [1, 1, 1]} : vector<2x1000x128xf32> to vector<1x1000x1xf32>
    %squeeze3A_10 = vector.shape_cast %slice3A_9 : vector<1x1000x1xf32> to vector<1000x1xf32>
    %add3A_11 = arith.addf %add3A_8, %squeeze3A_10 : vector<1000x1xf32>
    %rsqrt3A = math.rsqrt %add3A_11 : vector<1000x1xf32>
    %slice3A_12 = vector.extract_strided_slice %get3A_2 {offsets = [0, 0, 0], sizes = [1, 1000, 128], strides = [1, 1, 1]} : vector<2x1000x128xf32> to vector<1x1000x128xf32>
    %squeeze3A_13 = vector.shape_cast %slice3A_12 : vector<1x1000x128xf32> to vector<1000x128xf32>
    %slice3A_14 = vector.extract_strided_slice %get3A_2 {offsets = [1, 0, 0], sizes = [1, 1000, 128], strides = [1, 1, 1]} : vector<2x1000x128xf32> to vector<1x1000x128xf32>
    %squeeze3A_15 = vector.shape_cast %slice3A_14 : vector<1x1000x128xf32> to vector<1000x128xf32>
    %add3A_16 = arith.addf %squeeze3A_13, %squeeze3A_15 : vector<1000x128xf32>
    %get3A_17 = arith.constant 0 : index
    %get3A_18 = arith.constant 0 : index
    %get3A_19 = vector.load %arg2[%get3A_17, %get3A_18] : memref<1000x128xf32, #tpu.memory_space<vmem>>, vector<1000x128xf32>
    %add3A_20 = arith.addf %add3A_16, %get3A_19 : vector<1000x128xf32>
    %mul3A = vector.broadcast %rsqrt3A : vector<1000x1xf32> to vector<1000x128xf32>
    %mul3A_21 = arith.mulf %add3A_20, %mul3A : vector<1000x128xf32>
    %get3A_22 = arith.constant 0 : index
    %get3A_23 = arith.constant 0 : index
    %get3A_24 = vector.load %arg4[%get3A_22, %get3A_23] : memref<1x128xf32, #tpu.memory_space<vmem>>, vector<1x128xf32>
    %add3A_25 = vector.broadcast %get3A_24 : vector<1x128xf32> to vector<1000x128xf32>
    %add3A_26 = arith.addf %mul3A_21, %add3A_25 : vector<1000x128xf32>
    %swap3A = arith.constant 0 : index
    %swap3A_27 = arith.constant 0 : index
    %swap3A_28 = vector.load %arg5[%swap3A, %swap3A_27] : memref<1000x128xf32, #tpu.memory_space<vmem>>, vector<1000x128xf32>
    tpu.vector_store %arg5[%swap3A, %swap3A_27], %add3A_26 {strides = array<i32>} : memref<1000x128xf32, #tpu.memory_space<vmem>>, vector<1000x128xf32>,
    return
  }
  func.func @transform_0(%arg0: i32) -> (i32, i32, i32) {
    %c0_i32 = arith.constant 0 : i32
    %c0_i32_0 = arith.constant 0 : i32
    %c0_i32_1 = arith.constant 0 : i32
    return %c0_i32, %arg0, %c0_i32_0 : i32, i32, i32
  }
  func.func @transform_1(%arg0: i32) -> (i32, i32) {
    %c0_i32 = arith.constant 0 : i32
    %c0_i32_0 = arith.constant 0 : i32
    return %arg0, %c0_i32 : i32, i32
  }
  func.func @transform_2(%arg0: i32) -> (i32, i32, i32) {
    %c0_i32 = arith.constant 0 : i32
    %c0_i32_0 = arith.constant 0 : i32
    %c0_i32_1 = arith.constant 0 : i32
    return %c0_i32, %arg0, %c0_i32_0 : i32, i32, i32
  }
  func.func @transform_3(%arg0: i32) -> (i32, i32) {
    %c0_i32 = arith.constant 0 : i32
    %c0_i32_0 = arith.constant 0 : i32
    %c0_i32_1 = arith.constant 0 : i32
    return %c0_i32, %c0_i32_0 : i32, i32
  }
  func.func @transform_4(%arg0: i32) -> (i32, i32) {
    %c0_i32 = arith.constant 0 : i32
    %c0_i32_0 = arith.constant 0 : i32
    return %arg0, %c0_i32 : i32, i32
  }
}

</mosaic_0001>

<sc_bundles>
// kernel: kernel.11.cloned.1.call-start
scs
__scs_entry_jumppad:
0x0: {  	(pc) =	sbr.rel $0x88, $3  }
0x1: {  	(tag) =	ssettag $0x0;
	lr =	simm.s32 $0x1  }
0x2: {  	[smem:$0x3F99] =	sst lr;
	_ =	strace $0xD0000000  }
0x3: {  	_ = 	snop  }
0x4: {  	_ = 	snop  }
0x5: {  	_ = 	snop  }
0x6: {  	_ = 	snop  }
0x7: {  	_ = 	snop  }
__scs_overlays_trampoline_lowered:
0x8: {  	[smem:$0x3FA8] =	sst s0  }
0x9: {  	[smem:$0x3FA9] =	sst s1  }
0xa: {  	[smem:$0x3FAA] =	sst s2  }
0xb: {  	[smem:$0x3FAB] =	sst s3  }
0xc: {  	[smem:$0x3FAC] =	sst s4  }
0xd: {  	[smem:$0x3FAD] =	sst s5  }
0xe: {  	[smem:$0x3FAE] =	sst s6  }
0xf: {  	[smem:$0x3FAF] =	sst s7  }
0x10: {  	[smem:$0x3FB0] =	sst s8  }
0x11: {  	[smem:$0x3FB1] =	sst s9;
	s0 =	simm.s32 @!p0 $0x0  }
0x12: {  	s1 =	sld [smem:$0x3F97];
	s0 =	simm.s32 @p0 $0x1  }
0x13: {  	[smem:$0x3FB2] =	sst s0;
	s0 =	simm.s32 @!p1 $0x0  }
0x14: {  	s2 =	sld [smem:$0x3F96];
	s0 =	simm.s32 @p1 $0x1  }
0x15: {  	[smem:$0x3FB3] =	sst s0;
	s0 =	simm.s32 @!p2 $0x0  }
0x16: {  	s3 =	sld [smem:$0x3FDB];
	s0 =	simm.s32 @p2 $0x1  }
0x17: {  	s4 =	simm.s32 $0x1BF5;
	[smem:$0x3FB5] =	sst s0  }
0x18: {  	s0 =	sld [smem:$0x3F98];
	_ =	swait.ge [sflag:s4], $0x0  }
0x19: {  	s7 =	sld [smem:$0x3F99]  }
0x1a: {  	s8 =	sadd.s32 $0xFFFFE003, lr  }
0x1b: {  	s9 =	sadd.s32 $0xFFFFFEF7, lr;
	s5 =	simm.s32 $0xFFFFFFFF;
	p2 =	slt.u32 s8, $0xFFFFF086  }
0x1c: {  	p1 =	slt.u32 s9, $0xF7A;
	s5 =	simm.s32 @!p2 $0x0  }
0x1d: {  	s5 =	simm.s32 @p1 $0x1;
	p0 =	seq.s32 s7, s2  }
0x1e: {  	s7 =	smul.u32 @!p0 $0xF7A, s2;
	p2 =	seq.s32 @!p0 s5, $0x0  }
0x1f: {  	s9 =	smul.u32 $0xF7A, s1;
	s8 =	simm.s32 @!p0 $0x1BF5;
	p2 =	por !p2, p0  }
0x20: {  	[sflag:s8] =	ssyncset.s32 @!p0 $0xFFFFF086;
	s6 =	sadd.s32 @!p0 s3, s7;
	s7 =	simm.s32 @!p0 $0x108  }
0x21: {  	s3 =	sadd.s32 s3, s9;
	s6 =	sadd.s32 @!p0 $0x88, s6;
	s7 =	simm.s32 @p2 $0x1082  }
0x22: {  	[simem:s7], [sflag:s8] =	dma.local @!p0 [hbm:s6], $0xF7A  }
0x23: {  	s9 =	sor.u32 $0xD0000000, s2;
	s6 =	simm.s32 $0x108;
	_ =	swait.ge @!p0 [sflag:s8], $0x0  }
0x24: {  	s3 =	sadd.s32 $0x88, s3;
	s6 =	simm.s32 @!p1 $0x1082;
	[sflag:s4] =	ssyncset.s32 $0xFFFFF086  }
0x25: {  	[simem:s6], [sflag:s4] =	dma.local [hbm:s3], $0xF7A  }
0x26: {  	[smem:$0x3F99] =	sst s1;
	(tag) =	ssettag s2;
	_ =	strace s9  }
0x27: {  	s1 =	sld [smem:$0x3FA9]  }
0x28: {  	s2 =	sld [smem:$0x3FAA]  }
0x29: {  	s4 =	sld [smem:$0x3FAC]  }
0x2a: {  	p0 =	seq.s32 s5, $0x0;
	s5 =	sld [smem:$0x3FAD]  }
0x2b: {  	s6 =	sld [smem:$0x3FAE]  }
0x2c: {  	s7 =	sld [smem:$0x3FAF]  }
0x2d: {  	s3 =	simm.s32 $0x108;
	s8 =	sld [smem:$0x3FB0]  }
0x2e: {  	s3 =	simm.s32 @!p0 $0x1082;
	s9 =	sld [smem:$0x3FB1]  }
0x2f: {  	lr =	sadd.s32 s0, s3;
	s0 =	sld [smem:$0x3FA8]  }
0x30: {  	s3 =	sld [smem:$0x3FAB]  }
0x31: {  	[smem:$0x3FB4] =	sst s10  }
0x32: {  	s10 =	sld [smem:$0x3FB2];
	_ =	sdelay $0x3  }
0x33: {  	p0 =	seq.s32 s10, $0x1;
	s10 =	sld [smem:$0x3FB4];
	_ =	sdelay $0x3  }
0x34: {  	[smem:$0x3FB4] =	sst s10  }
0x35: {  	s10 =	sld [smem:$0x3FB3];
	_ =	sdelay $0x3  }
0x36: {  	p1 =	seq.s32 s10, $0x1;
	s10 =	sld [smem:$0x3FB4];
	_ =	sdelay $0x3  }
0x37: {  	[smem:$0x3FB4] =	sst s10  }
0x38: {  	s10 =	sld [smem:$0x3FB5]  }
0x39: {  	_ = 	snop;
	(pc) =	sbr.ind lr, $3  }
0x3a: {  	_ = 	snop  }
0x3b: {  	_ = 	snop  }
0x3c: {  	p2 =	seq.s32 s10, $0x1;
	s10 =	sld [smem:$0x3FB4]  }
0x3d: {  	_ =	shalt  }
0x3e: {  	_ =	shalt  }
0x3f: {  	_ =	shalt  }
0x40: {  	_ =	shalt  }
0x41: {  	_ =	shalt  }
0x42: {  	_ =	shalt  }
0x43: {  	_ =	shalt  }
0x44: {  	_ =	shalt  }
0x45: {  	_ =	shalt  }
0x46: {  	_ =	shalt  }
0x47: {  	_ =	shalt  }
0x48: {  	_ =	shalt  }
0x49: {  	_ =	shalt  }
0x4a: {  	_ =	shalt  }
0x4b: {  	_ =	shalt  }
0x4c: {  	_ =	shalt  }
0x4d: {  	_ =	shalt  }
0x4e: {  	_ =	shalt  }
0x4f: {  	_ =	shalt  }
0x50: {  	_ =	shalt  }
0x51: {  	_ =	shalt  }
0x52: {  	_ =	shalt  }
0x53: {  	_ =	shalt  }
0x54: {  	_ =	shalt  }
0x55: {  	_ =	shalt  }
0x56: {  	_ =	shalt  }
0x57: {  	_ =	shalt  }
0x58: {  	_ =	shalt  }
0x59: {  	_ =	shalt  }
0x5a: {  	_ =	shalt  }
0x5b: {  	_ =	shalt  }
0x5c: {  	_ =	shalt  }
0x5d: {  	_ =	shalt  }
0x5e: {  	_ =	shalt  }
0x5f: {  	_ =	shalt  }
0x60: {  	_ =	shalt  }
0x61: {  	_ =	shalt  }
0x62: {  	_ =	shalt  }
0x63: {  	_ =	shalt  }
0x64: {  	_ =	shalt  }
0x65: {  	_ =	shalt  }
0x66: {  	_ =	shalt  }
0x67: {  	_ =	shalt  }
0x68: {  	_ =	shalt  }
0x69: {  	_ =	shalt  }
0x6a: {  	_ =	shalt  }
0x6b: {  	_ =	shalt  }
0x6c: {  	_ =	shalt  }
0x6d: {  	_ =	shalt  }
0x6e: {  	_ =	shalt  }
0x6f: {  	_ =	shalt  }
0x70: {  	_ =	shalt  }
0x71: {  	_ =	shalt  }
0x72: {  	_ =	shalt  }
0x73: {  	_ =	shalt  }
0x74: {  	_ =	shalt  }
0x75: {  	_ =	shalt  }
0x76: {  	_ =	shalt  }
0x77: {  	_ =	shalt  }
0x78: {  	_ =	shalt  }
0x79: {  	_ =	shalt  }
0x7a: {  	_ =	shalt  }
0x7b: {  	_ =	shalt  }
0x7c: {  	_ =	shalt  }
0x7d: {  	_ =	shalt  }
0x7e: {  	_ =	shalt  }
0x7f: {  	_ =	shalt  }
0x80: {  	_ =	shalt  }
0x81: {  	_ =	shalt  }
0x82: {  	_ =	shalt  }
0x83: {  	_ =	shalt  }
0x84: {  	_ =	shalt  }
0x85: {  	_ =	shalt  }
0x86: {  	_ =	shalt  }
0x87: {  	_ =	shalt  }
.Lfunc_end0:
.L_simem_size_0:
called_computation.1_lowered:
.L_overlay_start_0:
0x88: {  	s2 =	sld [smem:$0x3FD9]  }
0x89: {  	s3 =	sld [smem:$0x3FFE];
	_ =	sdelay $0x1  }
0x8a: {  	s1 =	srdreg.scid  }
0x8b: {  	s0 =	sand.u32 $0x1, s1  }
0x8c: {  	s14 =	sshll.u32 s0, $0xA;
	s2 =	sadd.s32 s3, s2  }
0x8d: {  	s2 =	sadd.s32 s2, s14  }
0x8e: {  	[smem:$0x3FC0] =	sst s2  }
0x8f: {  	_ = 	snop  }
0x90: {  	s2 =	sld [smem:$0x3FD0];
	_ =	sdelay $0x2  }
0x91: {  	s15 =	simm.s32 $0xA;
	s4 =	simm.s32 $0x10  }
0x92: {  	[smem:s4], [sflag:s15] =	dma.local [hbm:s2], $0x1  }
0x93: {  	_ =	swait.eq [sflag:s15], $0x1  }
0x94: {  	[sflag:s15] =	ssyncset.done $0x0  }
0x95: {  	s16 =	sld [smem:$0x10];
	[sflag:s15] =	ssyncadd.s32 $0xFFFFFFFF  }
0x96: {  	s17 =	sld [smem:$0x11];
	(tm) =	ssettm $0x1  }
0x97: {  	s18 =	sld [smem:$0x3FFB];
	_ =	sdelay $0x3  }
0x98: {  	_ =	strace s18  }
0x99: {  	s4 =	sld [smem:$0x3FFC];
	_ =	sdelay $0x3  }
0x9a: {  	_ =	strace s4  }
0x9b: {  	s4 =	sld [smem:$0x3FFD];
	_ =	sdelay $0x3  }
0x9c: {  	_ =	strace s4  }
0x9d: {  	_ =	strace $0x8FFFFFFF  }
0x9e: {  	s19 =	sld [smem:$0x3FDB];
	_ =	sdelay $0x1  }
0x9f: {  	s5 =	simm.s32 $_scs_section_size  }
0xa0: {  	s6 =	simm.s32 $_size__tile_overlayer_lowered;
	s7 =	simm.s32 $_tile_overlayer_lowered  }
0xa1: {  	s22 =	simm.s32 $0x1BFF;
	s21 =	sshll.u32 s7, $0x1;
	s4 =	sadd.s32 s5, s19  }
0xa2: {  	s8 =	simm.s32 $0x0;
	s20 =	sshll.u32 s6, $0x1;
	s6 =	sadd.s32 s21, s4  }
0xa3: {  	[timem:s8], [sflag:s22] =	dma.local [hbm:s6], s20  }
0xa4: {  	_ =	swait.ge [sflag:s22], s20  }
0xa5: {  	s5 =	ssub.s32 $0x0, s20;
	[sflag:s22] =	ssyncset.done $0x0  }
0xa6: {  	[sflag:s22] =	ssyncadd.s32 s5;
	_ =	sdelay $0x1  }
0xa7: {  	s23 =	simm.s32 $0x1B8B  }
0xa8: {  	_ =	swait.ge [sflag:s23], $0x1  }
0xa9: {  	[sflag:s23] =	ssyncset.done $0x0  }
0xaa: {  	s25 =	simm.s32 $0x1B8E;
	s24 =	sld [smem:$0x3FFE];
	[sflag:s23] =	ssyncadd.s32 $0xFFFFFFFF  }
0xab: {  	s26 =	simm.s32 $execute0_lowered;
	[smem:$0x3FD2] =	sst s25  }
0xac: {  	s6 =	sshll.u32 s26, $0x1;
	_ =	strace $0x80000049;
	[dreg:$0x1] =	wrdreg $0xFFFFFFFF  }
0xad: {  	s28 =	simm.s32 $_size_execute0_lowered;
	s4 =	sadd.s32 s4, s6;
	[dreg:$0x0] =	wrdreg $0x0  }
0xae: {  	s6 =	sshll.u32 s28, $0x1;
	[dreg:$0x2] =	wrdreg s4  }
0xaf: {  	[dreg:$0x3] =	wrdreg s6  }
0xb0: {  	[dreg:$0x4] =	wrdreg $0xC0  }
0xb1: {  	_ =	task [dreg:s8], $0x5FFFF  }
0xb2: {  	[dreg:$0x1] =	wrdreg $0xFFFFFFFF  }
0xb3: {  	[dreg:$0x0] =	wrdreg $0x60  }
0xb4: {  	[dreg:$0x2] =	wrdreg s24  }
0xb5: {  	[dreg:$0x3] =	wrdreg s16  }
0xb6: {  	[dreg:$0x4] =	wrdreg s17  }
0xb7: {  	[dreg:$0x5] =	wrdreg $0x90000  }
0xb8: {  	[dreg:$0x6] =	wrdreg $0x9  }
0xb9: {  	_ =	task.clear_ibuf [dreg:s8], $0x7FFFF;
	_ =	strace $0x90000049  }
0xba: {  	s29 =	simm.s32 $0x9;
	_ =	strace $0x8000004B  }
0xbb: {  	_ =	swait.ge [sflag:s29], $0x1  }
0xbc: {  	[sflag:s29] =	ssyncadd.s32 $0xFFFFFFFF  }
0xbd: {  	_ =	strace $0x9000004B  }
0xbe: {  	_ =	sfence  }
0xbf: {  	s30 =	sld [smem:$0x0];
	_ =	sdelay $0x2  }
0xc0: {  	s31 =	sshll.u32 s1, $0xD;
	s1 =	sshrl.u32 s1, $0x2  }
0xc1: {  	s3 =	sand.u32 $0x4000, s31;
	s1 =	sadd.s32 s1, s30  }
0xc2: {  	s0 =	sor.u32 s3, s0;
	s1 =	sshll.u32 s1, $0x11  }
0xc3: {  	s0 =	sor.u32 s1, s0  }
0xc4: {  	s0 =	sadd.s32 $0x8F2B, s0  }
0xc5: {  	[sflag:s0] =	ssyncadd.remote.s32 $0x1  }
0xc6: {  	_ =	sfence.sel $0xFFFF  }
0xc7: {  	[dreg:$0x0] =	wrdreg $0xFFFFFFFF;
	(pc) =	sbr.abs _section_cstart, $3  }
0xc8: {  	[dreg:$0x1] =	wrdreg $0xFFFFFFFF  }
0xc9: {  	_ =	task.clear_ibuf [dreg:s8], $0x2FFFF;
	_ =	strace $0x9FFFFFFF  }
0xca: {  	(tm) =	ssettm $0x7FFFFFFF  }
0xcb: {  	_ =	shalt  }
tec
execute0_lowered:
.L_overlay_start_1:
0x0: {  	(tag) =	ssettag $0x1  }
0x1: {  	s6 =	rddreg [dreg:$0x0]  }
0x2: {  	s7 =	rddreg [dreg:$0x1]  }
0x3: {  	s8 =	rddreg [dreg:$0x2]  }
0x4: {  	s1 =	rddreg [dreg:$0x3];
	s2 =	srdreg.scid  }
0x5: {  	s0 =	rddreg [dreg:$0x4];
	s3 =	simm.s32 $0x0;
	s18 =	simm.s32 $0x80  }
0x6: {  	s19 =	simm.s32 $0x5000;
	s9 =	sand.u32 $0x1, s2;
	s2 =	stileid.u32  }
0x7: {  	s20 =	simm.s32 $0x0;
	[smem:$0x7FF] =	sst s3;
	s10 =	smul.u32 $0x140000, s9  }
0x8: {  	s4 =	sadd.s32 $0x53800, s6;
	s5 =	sadd.s32 $0x2800, s6;
	s11 =	smul.u32 $0x14000, s2  }
0x9: {  	_ =	strace $0x8000004A;
	s29 =	sshll.u32 s9, $0x4;
	s9 =	ssub.s32 $0x2, s9  }
0xa: {  	s12 =	smul.u32 $0x50000, s2;
	s31 =	sshll.u32 s2, $0x6;
	s13 =	sshrl.u32 s9, $0x1  }
0xb: {  	s10 =	sadd.s32 s11, s10;
	s11 =	sor.u32 s2, s29;
	s9 =	ssub.s32 s9, s13  }
0xc: {  	s12 =	sshrl.u32 s12, $0x2;
	s10 =	sshrl.u32 s10, $0x3;
	s11 =	smul.u32 $0x500, s11  }
0xd: {  	s30 =	sadd.s32 s12, s1;
	s9 =	smax.u32 s9, $0x1;
	s12 =	sor.u32 $0x1C01, s31  }
0xe: {  	s10 =	sadd.s32 s10, s6;
	s14 =	sadd.s32 $0x4000, s30;
	s15 =	sadd.s32 $0x8000, s30  }
0xf: {  	s16 =	sadd.s32 $0xC000, s30;
	s17 =	sadd.s32 $0x10000, s30;
	s13 =	sshrl.u32 s30, $0x3  }
0x10: {  	s6 =	sadd.s32 s7, s11;
	s7 =	sadd.s32 s8, s11;
	s8 =	sadd.s32 $0x7AA00, s10  }
0x11: {  	s10 =	simm.s32 $0x1;
	s11 =	simm.s32 $0x2800;
	s14 =	sshrl.u32 s14, $0x3  }
0x12: {  	s15 =	sshrl.u32 s15, $0x3;
	s16 =	sshrl.u32 s16, $0x3;
	s17 =	sshrl.u32 s17, $0x3  }
.LBB2_1:
0x13: {  	[tilespmem:s3], [sflag:$0x1] =	stream.linear.gather [hbm4b:s6+s3], $0x2780, $0x38;
	[tilespmem:$0x1D000] =	vst v63  }
0x14: {  	_ =	swait.ge [sflag:s10], $0x2780  }
0x15: {  	[sflag:s10] =	ssyncset.done $0x0  }
0x16: {  	[sflag:s10] =	ssyncadd.s32 $0xFFFFD880  }
0x17: {  	[tilespmem:s11], [sflag:$0x1] =	stream.linear.gather [hbm4b:s7+s3], $0x2780, $0x38;
	[tilespmem:$0x1D000] =	vst v63  }
0x18: {  	_ =	swait.ge [sflag:s10], $0x2780  }
0x19: {  	[sflag:s10] =	ssyncset.done $0x0  }
0x1a: {  	[sflag:s10] =	ssyncadd.s32 $0xFFFFD880  }
0x1b: {  	[spmem:s13], [sflag:s12] =	dma.local [hbm:s5], $0x800  }
0x1c: {  	_ =	swait.ge [sflag:s10], $0x800  }
0x1d: {  	[sflag:s10] =	ssyncset.done $0x0  }
0x1e: {  	[sflag:s10] =	ssyncadd.s32 $0xFFFFF800  }
0x1f: {  	[spmem:s14], [sflag:s12] =	dma.local [hbm:s5], $0x800  }
0x20: {  	_ =	swait.ge [sflag:s10], $0x800  }
0x21: {  	[sflag:s10] =	ssyncset.done $0x0  }
0x22: {  	[sflag:s10] =	ssyncadd.s32 $0xFFFFF800  }
0x23: {  	[spmem:s15], [sflag:s12] =	dma.local [hbm:s5], $0x800  }
0x24: {  	_ =	swait.ge [sflag:s10], $0x800  }
0x25: {  	[sflag:s10] =	ssyncset.done $0x0  }
0x26: {  	[sflag:s10] =	ssyncadd.s32 $0xFFFFF800  }
0x27: {  	[spmem:s16], [sflag:s12] =	dma.local [hbm:s5], $0x800  }
0x28: {  	_ =	swait.ge [sflag:s10], $0x800  }
0x29: {  	[sflag:s10] =	ssyncset.done $0x0  }
0x2a: {  	[sflag:s10] =	ssyncadd.s32 $0xFFFFF800  }
0x2b: {  	[spmem:s17], [sflag:s12] =	dma.local [hbm:s5], $0x800  }
0x2c: {  	_ =	swait.ge [sflag:s10], $0x800  }
0x2d: {  	[sflag:s10] =	ssyncset.done $0x0  }
0x2e: {  	[sflag:s10] =	ssyncadd.s32 $0xFFFFF800  }
0x2f: {  	s21 =	simm.s32 $0x0;
	[bflag:$0x0] =	sbarrier.arrive $0xFFFF  }
0x30: {  	[tilespmem:s19], [sflag:$0x1] =	stream.indirect.gather [hbm4b:s4+s18], $0x80, s21, s18, $0xb8;
	[tilespmem:$0x1D000] =	vst v63  }
0x31: {  	_ =	swait.ge [sflag:s10], $0x4000  }
0x32: {  	[sflag:s10] =	ssyncset.done $0x0  }
0x33: {  	s31 =	simm.s32 $0x2800;
	[sflag:s10] =	ssyncadd.s32 $0xFFFFC000  }
0x34: {  	[spmem:s1] =	stream.indirect.scatter.add.f32 [tilespmem:s19], [sflag:$0x1], $0x80, s31, s18, $0xb8;
	[tilespmem:$0x1D000] =	vst v63  }
0x35: {  	_ =	swait.ge [sflag:s10], $0x4000  }
0x36: {  	s22 =	simm.s32 $0x400;
	s21 =	simm.s32 $0x200;
	[sflag:s10] =	ssyncset.done $0x0  }
.LBB2_2:
0x37: {  	s23 =	sshra.s32 s21, $0x2  }
0x38: {  	[sflag:s10] =	ssyncadd.s32 $0xFFFFC000;
	s21 =	smov.u32 s22;
	s24 =	sadd.s32 $0x200, s22  }
0x39: {  	[tilespmem:s19], [sflag:$0x1] =	stream.indirect.gather [hbm4b:s4+s18], $0x80, s23, s18, $0xb8;
	[tilespmem:$0x1D000] =	vst v63  }
0x3a: {  	p0 =	sne.s32 s22, $0x9C00;
	_ =	swait.ge [sflag:s10], $0x4000  }
.Ltmp0:
0x3b: {  	[sflag:s10] =	ssyncset.done $0x0;
	(pc) =	sbr.rel @p0 .LBB2_2-.Ltmp0, $4  }
0x3c: {  	s22 =	sadd.s32 $0x2800, s23;
	[sflag:s10] =	ssyncadd.s32 $0xFFFFC000  }
0x3d: {  	[spmem:s1] =	stream.indirect.scatter.add.f32 [tilespmem:s19], [sflag:$0x1], $0x80, s22, s18, $0xb8;
	[tilespmem:$0x1D000] =	vst v63  }
0x3e: {  	_ =	swait.ge [sflag:s10], $0x4000  }
0x3f: {  	s22 =	smov.u32 s24;
	[sflag:s10] =	ssyncset.done $0x0  }
0x40: {  	s21 =	sshra.s32 s21, $0x2;
	[sflag:s10] =	ssyncadd.s32 $0xFFFFC000  }
0x41: {  	[tilespmem:s19], [sflag:$0x1] =	stream.indirect.gather [hbm4b:s4+s18], $0x80, s21, s18, $0xb8;
	[tilespmem:$0x1D000] =	vst v63  }
0x42: {  	_ =	swait.ge [sflag:s10], $0x4000  }
0x43: {  	[sflag:s10] =	ssyncset.done $0x0  }
0x44: {  	s21 =	sadd.s32 $0x2800, s21;
	[sflag:s10] =	ssyncadd.s32 $0xFFFFC000  }
0x45: {  	[spmem:s1] =	stream.indirect.scatter.add.f32 [tilespmem:s19], [sflag:$0x1], $0x80, s21, s18, $0xb8;
	[tilespmem:$0x1D000] =	vst v63  }
0x46: {  	_ =	swait.ge [sflag:s10], $0x4000  }
0x47: {  	s20 =	sadd.s32 $0x1, s20;
	[sflag:s10] =	ssyncset.done $0x0  }
0x48: {  	p0 =	sne.s32 s20, s9;
	[sflag:s10] =	ssyncadd.s32 $0xFFFFC000  }
.Ltmp1:
0x49: {  	[bflag:$0x0] =	sbarrier.arrive $0xFFFF;
	(pc) =	sbr.rel @p0 .LBB2_1-.Ltmp1, $4  }
0x4a: {  	[hbm:s8], [sflag:s12] =	dma.local [spmem:s13], $0x2800  }
0x4b: {  	_ =	swait.ge [sflag:s10], $0x2800  }
0x4c: {  	[sflag:s10] =	ssyncset.done $0x0  }
0x4d: {  	[sflag:s10] =	ssyncadd.s32 $0xFFFFD800  }
0x4e: {  	_ =	sfence.sel $0x180000  }
0x4f: {  	[bflag:$0x0] =	sbarrier.arrive $0xFFFF  }
0x50: {  	p0 =	sne.s32 s2, $0x0;
	_ =	strace $0x9000004A  }
0x51: {  	s0 =	sadd.s32 @!p0 $0x100000, s0;
	[bflag:$0x2] =	sbarrier.arrive $0xFFFF  }
0x52: {  	[sflag:s0] =	ssyncadd.tile.s32 @!p0 $0x1;
	_ =	shalt  }
.Lfunc_end2:
_tile_overlayer_lowered:
.L_overlay_start_2:
0x53: {  	(tag) =	ssettag $0x2  }
0x54: {  	s0 =	rddreg [dreg:$0x0];
	s2 =	stileid.u32  }
0x55: {  	s1 =	rddreg [dreg:$0x1];
	p0 =	sne.s32 s2, $0x0  }
0x56: {  	s3 =	rddreg [dreg:$0x2];
	[bflag:$0x3] =	sbarrier.arrive $0xFFFF;
	s2 =	simm.s32 @!p0 $0x1C01  }
0x57: {  	[timem:s3], [sflag:s2] =	dma.local @!p0 [hbm:s0], s1  }
0x58: {  	s0 =	simm.s32 @!p0 $0x1  }
0x59: {  	_ =	swait.ge @!p0 [sflag:s0], s1  }
0x5a: {  	s1 =	ssub.s32 @!p0 $0x0, s1;
	[sflag:s0] =	ssyncset.done @!p0 $0x0  }
0x5b: {  	[sflag:s0] =	ssyncadd.s32 @!p0 s1  }
0x5c: {  	[bflag:$0x3] =	sbarrier.arrive $0xFFFF  }
0x5d: {  	_ =	shalt  }

// kernel: kernel.14.cloned.1.call-start
scs
__scs_entry_jumppad:
0x0: {  	(pc) =	sbr.rel $0x88, $3  }
0x1: {  	(tag) =	ssettag $0x0;
	lr =	simm.s32 $0x1  }
0x2: {  	[smem:$0x3F99] =	sst lr;
	_ =	strace $0xD0000000  }
0x3: {  	_ = 	snop  }
0x4: {  	_ = 	snop  }
0x5: {  	_ = 	snop  }
0x6: {  	_ = 	snop  }
0x7: {  	_ = 	snop  }
__scs_overlays_trampoline_lowered:
0x8: {  	[smem:$0x3FA8] =	sst s0  }
0x9: {  	[smem:$0x3FA9] =	sst s1  }
0xa: {  	[smem:$0x3FAA] =	sst s2  }
0xb: {  	[smem:$0x3FAB] =	sst s3  }
0xc: {  	[smem:$0x3FAC] =	sst s4  }
0xd: {  	[smem:$0x3FAD] =	sst s5  }
0xe: {  	[smem:$0x3FAE] =	sst s6  }
0xf: {  	[smem:$0x3FAF] =	sst s7  }
0x10: {  	[smem:$0x3FB0] =	sst s8  }
0x11: {  	[smem:$0x3FB1] =	sst s9;
	s0 =	simm.s32 @!p0 $0x0  }
0x12: {  	s1 =	sld [smem:$0x3F97];
	s0 =	simm.s32 @p0 $0x1  }
0x13: {  	[smem:$0x3FB2] =	sst s0;
	s0 =	simm.s32 @!p1 $0x0  }
0x14: {  	s2 =	sld [smem:$0x3F96];
	s0 =	simm.s32 @p1 $0x1  }
0x15: {  	[smem:$0x3FB3] =	sst s0;
	s0 =	simm.s32 @!p2 $0x0  }
0x16: {  	s3 =	sld [smem:$0x3FDB];
	s0 =	simm.s32 @p2 $0x1  }
0x17: {  	s4 =	simm.s32 $0x1BF5;
	[smem:$0x3FB5] =	sst s0  }
0x18: {  	s0 =	sld [smem:$0x3F98];
	_ =	swait.ge [sflag:s4], $0x0  }
0x19: {  	s7 =	sld [smem:$0x3F99]  }
0x1a: {  	s8 =	sadd.s32 $0xFFFFE003, lr  }
0x1b: {  	s9 =	sadd.s32 $0xFFFFFEF7, lr;
	s5 =	simm.s32 $0xFFFFFFFF;
	p2 =	slt.u32 s8, $0xFFFFF086  }
0x1c: {  	p1 =	slt.u32 s9, $0xF7A;
	s5 =	simm.s32 @!p2 $0x0  }
0x1d: {  	s5 =	simm.s32 @p1 $0x1;
	p0 =	seq.s32 s7, s2  }
0x1e: {  	s7 =	smul.u32 @!p0 $0xF7A, s2;
	p2 =	seq.s32 @!p0 s5, $0x0  }
0x1f: {  	s9 =	smul.u32 $0xF7A, s1;
	s8 =	simm.s32 @!p0 $0x1BF5;
	p2 =	por !p2, p0  }
0x20: {  	[sflag:s8] =	ssyncset.s32 @!p0 $0xFFFFF086;
	s6 =	sadd.s32 @!p0 s3, s7;
	s7 =	simm.s32 @!p0 $0x108  }
0x21: {  	s3 =	sadd.s32 s3, s9;
	s6 =	sadd.s32 @!p0 $0x88, s6;
	s7 =	simm.s32 @p2 $0x1082  }
0x22: {  	[simem:s7], [sflag:s8] =	dma.local @!p0 [hbm:s6], $0xF7A  }
0x23: {  	s9 =	sor.u32 $0xD0000000, s2;
	s6 =	simm.s32 $0x108;
	_ =	swait.ge @!p0 [sflag:s8], $0x0  }
0x24: {  	s3 =	sadd.s32 $0x88, s3;
	s6 =	simm.s32 @!p1 $0x1082;
	[sflag:s4] =	ssyncset.s32 $0xFFFFF086  }
0x25: {  	[simem:s6], [sflag:s4] =	dma.local [hbm:s3], $0xF7A  }
0x26: {  	[smem:$0x3F99] =	sst s1;
	(tag) =	ssettag s2;
	_ =	strace s9  }
0x27: {  	s1 =	sld [smem:$0x3FA9]  }
0x28: {  	s2 =	sld [smem:$0x3FAA]  }
0x29: {  	s4 =	sld [smem:$0x3FAC]  }
0x2a: {  	p0 =	seq.s32 s5, $0x0;
	s5 =	sld [smem:$0x3FAD]  }
0x2b: {  	s6 =	sld [smem:$0x3FAE]  }
0x2c: {  	s7 =	sld [smem:$0x3FAF]  }
0x2d: {  	s3 =	simm.s32 $0x108;
	s8 =	sld [smem:$0x3FB0]  }
0x2e: {  	s3 =	simm.s32 @!p0 $0x1082;
	s9 =	sld [smem:$0x3FB1]  }
0x2f: {  	lr =	sadd.s32 s0, s3;
	s0 =	sld [smem:$0x3FA8]  }
0x30: {  	s3 =	sld [smem:$0x3FAB]  }
0x31: {  	[smem:$0x3FB4] =	sst s10  }
0x32: {  	s10 =	sld [smem:$0x3FB2];
	_ =	sdelay $0x3  }
0x33: {  	p0 =	seq.s32 s10, $0x1;
	s10 =	sld [smem:$0x3FB4];
	_ =	sdelay $0x3  }
0x34: {  	[smem:$0x3FB4] =	sst s10  }
0x35: {  	s10 =	sld [smem:$0x3FB3];
	_ =	sdelay $0x3  }
0x36: {  	p1 =	seq.s32 s10, $0x1;
	s10 =	sld [smem:$0x3FB4];
	_ =	sdelay $0x3  }
0x37: {  	[smem:$0x3FB4] =	sst s10  }
0x38: {  	s10 =	sld [smem:$0x3FB5]  }
0x39: {  	_ = 	snop;
	(pc) =	sbr.ind lr, $3  }
0x3a: {  	_ = 	snop  }
0x3b: {  	_ = 	snop  }
0x3c: {  	p2 =	seq.s32 s10, $0x1;
	s10 =	sld [smem:$0x3FB4]  }
0x3d: {  	_ =	shalt  }
0x3e: {  	_ =	shalt  }
0x3f: {  	_ =	shalt  }
0x40: {  	_ =	shalt  }
0x41: {  	_ =	shalt  }
0x42: {  	_ =	shalt  }
0x43: {  	_ =	shalt  }
0x44: {  	_ =	shalt  }
0x45: {  	_ =	shalt  }
0x46: {  	_ =	shalt  }
0x47: {  	_ =	shalt  }
0x48: {  	_ =	shalt  }
0x49: {  	_ =	shalt  }
0x4a: {  	_ =	shalt  }
0x4b: {  	_ =	shalt  }
0x4c: {  	_ =	shalt  }
0x4d: {  	_ =	shalt  }
0x4e: {  	_ =	shalt  }
0x4f: {  	_ =	shalt  }
0x50: {  	_ =	shalt  }
0x51: {  	_ =	shalt  }
0x52: {  	_ =	shalt  }
0x53: {  	_ =	shalt  }
0x54: {  	_ =	shalt  }
0x55: {  	_ =	shalt  }
0x56: {  	_ =	shalt  }
0x57: {  	_ =	shalt  }
0x58: {  	_ =	shalt  }
0x59: {  	_ =	shalt  }
0x5a: {  	_ =	shalt  }
0x5b: {  	_ =	shalt  }
0x5c: {  	_ =	shalt  }
0x5d: {  	_ =	shalt  }
0x5e: {  	_ =	shalt  }
0x5f: {  	_ =	shalt  }
0x60: {  	_ =	shalt  }
0x61: {  	_ =	shalt  }
0x62: {  	_ =	shalt  }
0x63: {  	_ =	shalt  }
0x64: {  	_ =	shalt  }
0x65: {  	_ =	shalt  }
0x66: {  	_ =	shalt  }
0x67: {  	_ =	shalt  }
0x68: {  	_ =	shalt  }
0x69: {  	_ =	shalt  }
0x6a: {  	_ =	shalt  }
0x6b: {  	_ =	shalt  }
0x6c: {  	_ =	shalt  }
0x6d: {  	_ =	shalt  }
0x6e: {  	_ =	shalt  }
0x6f: {  	_ =	shalt  }
0x70: {  	_ =	shalt  }
0x71: {  	_ =	shalt  }
0x72: {  	_ =	shalt  }
0x73: {  	_ =	shalt  }
0x74: {  	_ =	shalt  }
0x75: {  	_ =	shalt  }
0x76: {  	_ =	shalt  }
0x77: {  	_ =	shalt  }
0x78: {  	_ =	shalt  }
0x79: {  	_ =	shalt  }
0x7a: {  	_ =	shalt  }
0x7b: {  	_ =	shalt  }
0x7c: {  	_ =	shalt  }
0x7d: {  	_ =	shalt  }
0x7e: {  	_ =	shalt  }
0x7f: {  	_ =	shalt  }
0x80: {  	_ =	shalt  }
0x81: {  	_ =	shalt  }
0x82: {  	_ =	shalt  }
0x83: {  	_ =	shalt  }
0x84: {  	_ =	shalt  }
0x85: {  	_ =	shalt  }
0x86: {  	_ =	shalt  }
0x87: {  	_ =	shalt  }
.Lfunc_end0:
.L_simem_size_0:
called_computation.2_lowered:
.L_overlay_start_0:
0x88: {  	s2 =	sld [smem:$0x3FD9]  }
0x89: {  	s3 =	sld [smem:$0x3FFE];
	_ =	sdelay $0x1  }
0x8a: {  	s1 =	srdreg.scid  }
0x8b: {  	s0 =	sand.u32 $0x1, s1  }
0x8c: {  	s14 =	sshll.u32 s0, $0xA;
	s2 =	sadd.s32 s3, s2  }
0x8d: {  	s2 =	sadd.s32 s2, s14  }
0x8e: {  	[smem:$0x3FC0] =	sst s2  }
0x8f: {  	_ = 	snop  }
0x90: {  	s2 =	sld [smem:$0x3FD0];
	_ =	sdelay $0x2  }
0x91: {  	s15 =	simm.s32 $0xA;
	s4 =	simm.s32 $0x10  }
0x92: {  	[smem:s4], [sflag:s15] =	dma.local [hbm:s2], $0x1  }
0x93: {  	_ =	swait.eq [sflag:s15], $0x1  }
0x94: {  	[sflag:s15] =	ssyncset.done $0x0  }
0x95: {  	s16 =	sld [smem:$0x10];
	[sflag:s15] =	ssyncadd.s32 $0xFFFFFFFF  }
0x96: {  	s17 =	sld [smem:$0x11];
	(tm) =	ssettm $0x1  }
0x97: {  	s18 =	sld [smem:$0x3FFB];
	_ =	sdelay $0x3  }
0x98: {  	_ =	strace s18  }
0x99: {  	s4 =	sld [smem:$0x3FFC];
	_ =	sdelay $0x3  }
0x9a: {  	_ =	strace s4  }
0x9b: {  	s4 =	sld [smem:$0x3FFD];
	_ =	sdelay $0x3  }
0x9c: {  	_ =	strace s4  }
0x9d: {  	_ =	strace $0x8FFFFFFF  }
0x9e: {  	s19 =	sld [smem:$0x3FDB];
	_ =	sdelay $0x1  }
0x9f: {  	s5 =	simm.s32 $_scs_section_size  }
0xa0: {  	s6 =	simm.s32 $_size__tile_overlayer_lowered;
	s7 =	simm.s32 $_tile_overlayer_lowered  }
0xa1: {  	s22 =	simm.s32 $0x1BFF;
	s21 =	sshll.u32 s7, $0x1;
	s4 =	sadd.s32 s5, s19  }
0xa2: {  	s8 =	simm.s32 $0x0;
	s20 =	sshll.u32 s6, $0x1;
	s6 =	sadd.s32 s21, s4  }
0xa3: {  	[timem:s8], [sflag:s22] =	dma.local [hbm:s6], s20  }
0xa4: {  	_ =	swait.ge [sflag:s22], s20  }
0xa5: {  	s5 =	ssub.s32 $0x0, s20;
	[sflag:s22] =	ssyncset.done $0x0  }
0xa6: {  	[sflag:s22] =	ssyncadd.s32 s5;
	_ =	sdelay $0x1  }
0xa7: {  	s23 =	simm.s32 $0x1B8B  }
0xa8: {  	_ =	swait.ge [sflag:s23], $0x1  }
0xa9: {  	[sflag:s23] =	ssyncset.done $0x0  }
0xaa: {  	s25 =	simm.s32 $0x1B8E;
	s24 =	sld [smem:$0x3FFE];
	[sflag:s23] =	ssyncadd.s32 $0xFFFFFFFF  }
0xab: {  	s26 =	simm.s32 $execute0_lowered;
	[smem:$0x3FD2] =	sst s25  }
0xac: {  	s6 =	sshll.u32 s26, $0x1;
	_ =	strace $0x8000004C;
	[dreg:$0x1] =	wrdreg $0xFFFFFFFF  }
0xad: {  	s28 =	simm.s32 $_size_execute0_lowered;
	s4 =	sadd.s32 s4, s6;
	[dreg:$0x0] =	wrdreg $0x0  }
0xae: {  	s6 =	sshll.u32 s28, $0x1;
	[dreg:$0x2] =	wrdreg s4  }
0xaf: {  	[dreg:$0x3] =	wrdreg s6  }
0xb0: {  	[dreg:$0x4] =	wrdreg $0xC0  }
0xb1: {  	_ =	task [dreg:s8], $0x5FFFF  }
0xb2: {  	[dreg:$0x1] =	wrdreg $0xFFFFFFFF  }
0xb3: {  	[dreg:$0x0] =	wrdreg $0x60  }
0xb4: {  	[dreg:$0x2] =	wrdreg s24  }
0xb5: {  	[dreg:$0x3] =	wrdreg s16  }
0xb6: {  	[dreg:$0x4] =	wrdreg s17  }
0xb7: {  	[dreg:$0x5] =	wrdreg $0x90000  }
0xb8: {  	[dreg:$0x6] =	wrdreg $0x9  }
0xb9: {  	_ =	task.clear_ibuf [dreg:s8], $0x7FFFF;
	_ =	strace $0x9000004C  }
0xba: {  	s29 =	simm.s32 $0x9;
	_ =	strace $0x8000004E  }
0xbb: {  	_ =	swait.ge [sflag:s29], $0x1  }
0xbc: {  	[sflag:s29] =	ssyncadd.s32 $0xFFFFFFFF  }
0xbd: {  	_ =	strace $0x9000004E  }
0xbe: {  	_ =	sfence  }
0xbf: {  	s30 =	sld [smem:$0x0];
	_ =	sdelay $0x2  }
0xc0: {  	s31 =	sshll.u32 s1, $0xD;
	s1 =	sshrl.u32 s1, $0x2  }
0xc1: {  	s3 =	sand.u32 $0x4000, s31;
	s1 =	sadd.s32 s1, s30  }
0xc2: {  	s0 =	sor.u32 s3, s0;
	s1 =	sshll.u32 s1, $0x11  }
0xc3: {  	s0 =	sor.u32 s1, s0  }
0xc4: {  	s0 =	sadd.s32 $0x8F2B, s0  }
0xc5: {  	[sflag:s0] =	ssyncadd.remote.s32 $0x1  }
0xc6: {  	_ =	sfence.sel $0xFFFF  }
0xc7: {  	[dreg:$0x0] =	wrdreg $0xFFFFFFFF;
	(pc) =	sbr.abs _section_cstart, $3  }
0xc8: {  	[dreg:$0x1] =	wrdreg $0xFFFFFFFF  }
0xc9: {  	_ =	task.clear_ibuf [dreg:s8], $0x2FFFF;
	_ =	strace $0x9FFFFFFF  }
0xca: {  	(tm) =	ssettm $0x7FFFFFFF  }
0xcb: {  	_ =	shalt  }
tec
execute0_lowered:
.L_overlay_start_1:
0x0: {  	(tag) =	ssettag $0x1  }
0x1: {  	s6 =	rddreg [dreg:$0x0]  }
0x2: {  	s7 =	rddreg [dreg:$0x1]  }
0x3: {  	s8 =	rddreg [dreg:$0x2]  }
0x4: {  	s1 =	rddreg [dreg:$0x3];
	s2 =	srdreg.scid  }
0x5: {  	s0 =	rddreg [dreg:$0x4];
	s3 =	simm.s32 $0x0;
	s18 =	simm.s32 $0x80  }
0x6: {  	s19 =	simm.s32 $0x5000;
	s9 =	sand.u32 $0x1, s2;
	s2 =	stileid.u32  }
0x7: {  	s20 =	simm.s32 $0x0;
	[smem:$0x7FF] =	sst s3;
	s10 =	smul.u32 $0x140000, s9  }
0x8: {  	s4 =	sadd.s32 $0x53800, s6;
	s5 =	sadd.s32 $0x2800, s6;
	s11 =	smul.u32 $0x14000, s2  }
0x9: {  	_ =	strace $0x8000004D;
	s29 =	sshll.u32 s9, $0x4;
	s9 =	ssub.s32 $0x2, s9  }
0xa: {  	s12 =	smul.u32 $0x50000, s2;
	s31 =	sshll.u32 s2, $0x6;
	s13 =	sshrl.u32 s9, $0x1  }
0xb: {  	s10 =	sadd.s32 s11, s10;
	s11 =	sor.u32 s2, s29;
	s9 =	ssub.s32 s9, s13  }
0xc: {  	s12 =	sshrl.u32 s12, $0x2;
	s10 =	sshrl.u32 s10, $0x3;
	s11 =	smul.u32 $0x500, s11  }
0xd: {  	s30 =	sadd.s32 s12, s1;
	s9 =	smax.u32 s9, $0x1;
	s12 =	sor.u32 $0x1C01, s31  }
0xe: {  	s10 =	sadd.s32 s10, s6;
	s14 =	sadd.s32 $0x4000, s30;
	s15 =	sadd.s32 $0x8000, s30  }
0xf: {  	s16 =	sadd.s32 $0xC000, s30;
	s17 =	sadd.s32 $0x10000, s30;
	s13 =	sshrl.u32 s30, $0x3  }
0x10: {  	s6 =	sadd.s32 s7, s11;
	s7 =	sadd.s32 s8, s11;
	s8 =	sadd.s32 $0x7AA00, s10  }
0x11: {  	s10 =	simm.s32 $0x1;
	s11 =	simm.s32 $0x2800;
	s14 =	sshrl.u32 s14, $0x3  }
0x12: {  	s15 =	sshrl.u32 s15, $0x3;
	s16 =	sshrl.u32 s16, $0x3;
	s17 =	sshrl.u32 s17, $0x3  }
.LBB2_1:
0x13: {  	[tilespmem:s3], [sflag:$0x1] =	stream.linear.gather [hbm4b:s6+s3], $0x2780, $0x38;
	[tilespmem:$0x1D000] =	vst v63  }
0x14: {  	_ =	swait.ge [sflag:s10], $0x2780  }
0x15: {  	[sflag:s10] =	ssyncset.done $0x0  }
0x16: {  	[sflag:s10] =	ssyncadd.s32 $0xFFFFD880  }
0x17: {  	[tilespmem:s11], [sflag:$0x1] =	stream.linear.gather [hbm4b:s7+s3], $0x2780, $0x38;
	[tilespmem:$0x1D000] =	vst v63  }
0x18: {  	_ =	swait.ge [sflag:s10], $0x2780  }
0x19: {  	[sflag:s10] =	ssyncset.done $0x0  }
0x1a: {  	[sflag:s10] =	ssyncadd.s32 $0xFFFFD880  }
0x1b: {  	[spmem:s13], [sflag:s12] =	dma.local [hbm:s5], $0x800  }
0x1c: {  	_ =	swait.ge [sflag:s10], $0x800  }
0x1d: {  	[sflag:s10] =	ssyncset.done $0x0  }
0x1e: {  	[sflag:s10] =	ssyncadd.s32 $0xFFFFF800  }
0x1f: {  	[spmem:s14], [sflag:s12] =	dma.local [hbm:s5], $0x800  }
0x20: {  	_ =	swait.ge [sflag:s10], $0x800  }
0x21: {  	[sflag:s10] =	ssyncset.done $0x0  }
0x22: {  	[sflag:s10] =	ssyncadd.s32 $0xFFFFF800  }
0x23: {  	[spmem:s15], [sflag:s12] =	dma.local [hbm:s5], $0x800  }
0x24: {  	_ =	swait.ge [sflag:s10], $0x800  }
0x25: {  	[sflag:s10] =	ssyncset.done $0x0  }
0x26: {  	[sflag:s10] =	ssyncadd.s32 $0xFFFFF800  }
0x27: {  	[spmem:s16], [sflag:s12] =	dma.local [hbm:s5], $0x800  }
0x28: {  	_ =	swait.ge [sflag:s10], $0x800  }
0x29: {  	[sflag:s10] =	ssyncset.done $0x0  }
0x2a: {  	[sflag:s10] =	ssyncadd.s32 $0xFFFFF800  }
0x2b: {  	[spmem:s17], [sflag:s12] =	dma.local [hbm:s5], $0x800  }
0x2c: {  	_ =	swait.ge [sflag:s10], $0x800  }
0x2d: {  	[sflag:s10] =	ssyncset.done $0x0  }
0x2e: {  	[sflag:s10] =	ssyncadd.s32 $0xFFFFF800  }
0x2f: {  	s21 =	simm.s32 $0x0;
	[bflag:$0x0] =	sbarrier.arrive $0xFFFF  }
0x30: {  	[tilespmem:s19], [sflag:$0x1] =	stream.indirect.gather [hbm4b:s4+s18], $0x80, s21, s18, $0xb8;
	[tilespmem:$0x1D000] =	vst v63  }
0x31: {  	_ =	swait.ge [sflag:s10], $0x4000  }
0x32: {  	[sflag:s10] =	ssyncset.done $0x0  }
0x33: {  	s31 =	simm.s32 $0x2800;
	[sflag:s10] =	ssyncadd.s32 $0xFFFFC000  }
0x34: {  	[spmem:s1] =	stream.indirect.scatter.add.f32 [tilespmem:s19], [sflag:$0x1], $0x80, s31, s18, $0xb8;
	[tilespmem:$0x1D000] =	vst v63  }
0x35: {  	_ =	swait.ge [sflag:s10], $0x4000  }
0x36: {  	s22 =	simm.s32 $0x400;
	s21 =	simm.s32 $0x200;
	[sflag:s10] =	ssyncset.done $0x0  }
.LBB2_2:
0x37: {  	s23 =	sshra.s32 s21, $0x2  }
0x38: {  	[sflag:s10] =	ssyncadd.s32 $0xFFFFC000;
	s21 =	smov.u32 s22;
	s24 =	sadd.s32 $0x200, s22  }
0x39: {  	[tilespmem:s19], [sflag:$0x1] =	stream.indirect.gather [hbm4b:s4+s18], $0x80, s23, s18, $0xb8;
	[tilespmem:$0x1D000] =	vst v63  }
0x3a: {  	p0 =	sne.s32 s22, $0x9C00;
	_ =	swait.ge [sflag:s10], $0x4000  }
.Ltmp0:
0x3b: {  	[sflag:s10] =	ssyncset.done $0x0;
	(pc) =	sbr.rel @p0 .LBB2_2-.Ltmp0, $4  }
0x3c: {  	s22 =	sadd.s32 $0x2800, s23;
	[sflag:s10] =	ssyncadd.s32 $0xFFFFC000  }
0x3d: {  	[spmem:s1] =	stream.indirect.scatter.add.f32 [tilespmem:s19], [sflag:$0x1], $0x80, s22, s18, $0xb8;
	[tilespmem:$0x1D000] =	vst v63  }
0x3e: {  	_ =	swait.ge [sflag:s10], $0x4000  }
0x3f: {  	s22 =	smov.u32 s24;
	[sflag:s10] =	ssyncset.done $0x0  }
0x40: {  	s21 =	sshra.s32 s21, $0x2;
	[sflag:s10] =	ssyncadd.s32 $0xFFFFC000  }
0x41: {  	[tilespmem:s19], [sflag:$0x1] =	stream.indirect.gather [hbm4b:s4+s18], $0x80, s21, s18, $0xb8;
	[tilespmem:$0x1D000] =	vst v63  }
0x42: {  	_ =	swait.ge [sflag:s10], $0x4000  }
0x43: {  	[sflag:s10] =	ssyncset.done $0x0  }
0x44: {  	s21 =	sadd.s32 $0x2800, s21;
	[sflag:s10] =	ssyncadd.s32 $0xFFFFC000  }
0x45: {  	[spmem:s1] =	stream.indirect.scatter.add.f32 [tilespmem:s19], [sflag:$0x1], $0x80, s21, s18, $0xb8;
	[tilespmem:$0x1D000] =	vst v63  }
0x46: {  	_ =	swait.ge [sflag:s10], $0x4000  }
0x47: {  	s20 =	sadd.s32 $0x1, s20;
	[sflag:s10] =	ssyncset.done $0x0  }
0x48: {  	p0 =	sne.s32 s20, s9;
	[sflag:s10] =	ssyncadd.s32 $0xFFFFC000  }
.Ltmp1:
0x49: {  	[bflag:$0x0] =	sbarrier.arrive $0xFFFF;
	(pc) =	sbr.rel @p0 .LBB2_1-.Ltmp1, $4  }
0x4a: {  	[hbm:s8], [sflag:s12] =	dma.local [spmem:s13], $0x2800  }
0x4b: {  	_ =	swait.ge [sflag:s10], $0x2800  }
0x4c: {  	[sflag:s10] =	ssyncset.done $0x0  }
0x4d: {  	[sflag:s10] =	ssyncadd.s32 $0xFFFFD800  }
0x4e: {  	_ =	sfence.sel $0x180000  }
0x4f: {  	[bflag:$0x0] =	sbarrier.arrive $0xFFFF  }
0x50: {  	p0 =	sne.s32 s2, $0x0;
	_ =	strace $0x9000004D  }
0x51: {  	s0 =	sadd.s32 @!p0 $0x100000, s0;
	[bflag:$0x2] =	sbarrier.arrive $0xFFFF  }
0x52: {  	[sflag:s0] =	ssyncadd.tile.s32 @!p0 $0x1;
	_ =	shalt  }
.Lfunc_end2:
_tile_overlayer_lowered:
.L_overlay_start_2:
0x53: {  	(tag) =	ssettag $0x2  }
0x54: {  	s0 =	rddreg [dreg:$0x0];
	s2 =	stileid.u32  }
0x55: {  	s1 =	rddreg [dreg:$0x1];
	p0 =	sne.s32 s2, $0x0  }
0x56: {  	s3 =	rddreg [dreg:$0x2];
	[bflag:$0x3] =	sbarrier.arrive $0xFFFF;
	s2 =	simm.s32 @!p0 $0x1C01  }
0x57: {  	[timem:s3], [sflag:s2] =	dma.local @!p0 [hbm:s0], s1  }
0x58: {  	s0 =	simm.s32 @!p0 $0x1  }
0x59: {  	_ =	swait.ge @!p0 [sflag:s0], s1  }
0x5a: {  	s1 =	ssub.s32 @!p0 $0x0, s1;
	[sflag:s0] =	ssyncset.done @!p0 $0x0  }
0x5b: {  	[sflag:s0] =	ssyncadd.s32 @!p0 s1  }
0x5c: {  	[bflag:$0x3] =	sbarrier.arrive $0xFFFF  }
0x5d: {  	_ =	shalt  }

// kernel: kernel.8.cloned.1.call-start
scs
__scs_entry_jumppad:
0x0: {  	(pc) =	sbr.rel $0x88, $3  }
0x1: {  	(tag) =	ssettag $0x0;
	lr =	simm.s32 $0x1  }
0x2: {  	[smem:$0x3F99] =	sst lr;
	_ =	strace $0xD0000000  }
0x3: {  	_ = 	snop  }
0x4: {  	_ = 	snop  }
0x5: {  	_ = 	snop  }
0x6: {  	_ = 	snop  }
0x7: {  	_ = 	snop  }
__scs_overlays_trampoline_lowered:
0x8: {  	[smem:$0x3FA8] =	sst s0  }
0x9: {  	[smem:$0x3FA9] =	sst s1  }
0xa: {  	[smem:$0x3FAA] =	sst s2  }
0xb: {  	[smem:$0x3FAB] =	sst s3  }
0xc: {  	[smem:$0x3FAC] =	sst s4  }
0xd: {  	[smem:$0x3FAD] =	sst s5  }
0xe: {  	[smem:$0x3FAE] =	sst s6  }
0xf: {  	[smem:$0x3FAF] =	sst s7  }
0x10: {  	[smem:$0x3FB0] =	sst s8  }
0x11: {  	[smem:$0x3FB1] =	sst s9;
	s0 =	simm.s32 @!p0 $0x0  }
0x12: {  	s1 =	sld [smem:$0x3F97];
	s0 =	simm.s32 @p0 $0x1  }
0x13: {  	[smem:$0x3FB2] =	sst s0;
	s0 =	simm.s32 @!p1 $0x0  }
0x14: {  	s2 =	sld [smem:$0x3F96];
	s0 =	simm.s32 @p1 $0x1  }
0x15: {  	[smem:$0x3FB3] =	sst s0;
	s0 =	simm.s32 @!p2 $0x0  }
0x16: {  	s3 =	sld [smem:$0x3FDB];
	s0 =	simm.s32 @p2 $0x1  }
0x17: {  	s4 =	simm.s32 $0x1BF5;
	[smem:$0x3FB5] =	sst s0  }
0x18: {  	s0 =	sld [smem:$0x3F98];
	_ =	swait.ge [sflag:s4], $0x0  }
0x19: {  	s7 =	sld [smem:$0x3F99]  }
0x1a: {  	s8 =	sadd.s32 $0xFFFFE003, lr  }
0x1b: {  	s9 =	sadd.s32 $0xFFFFFEF7, lr;
	s5 =	simm.s32 $0xFFFFFFFF;
	p2 =	slt.u32 s8, $0xFFFFF086  }
0x1c: {  	p1 =	slt.u32 s9, $0xF7A;
	s5 =	simm.s32 @!p2 $0x0  }
0x1d: {  	s5 =	simm.s32 @p1 $0x1;
	p0 =	seq.s32 s7, s2  }
0x1e: {  	s7 =	smul.u32 @!p0 $0xF7A, s2;
	p2 =	seq.s32 @!p0 s5, $0x0  }
0x1f: {  	s9 =	smul.u32 $0xF7A, s1;
	s8 =	simm.s32 @!p0 $0x1BF5;
	p2 =	por !p2, p0  }
0x20: {  	[sflag:s8] =	ssyncset.s32 @!p0 $0xFFFFF086;
	s6 =	sadd.s32 @!p0 s3, s7;
	s7 =	simm.s32 @!p0 $0x108  }
0x21: {  	s3 =	sadd.s32 s3, s9;
	s6 =	sadd.s32 @!p0 $0x88, s6;
	s7 =	simm.s32 @p2 $0x1082  }
0x22: {  	[simem:s7], [sflag:s8] =	dma.local @!p0 [hbm:s6], $0xF7A  }
0x23: {  	s9 =	sor.u32 $0xD0000000, s2;
	s6 =	simm.s32 $0x108;
	_ =	swait.ge @!p0 [sflag:s8], $0x0  }
0x24: {  	s3 =	sadd.s32 $0x88, s3;
	s6 =	simm.s32 @!p1 $0x1082;
	[sflag:s4] =	ssyncset.s32 $0xFFFFF086  }
0x25: {  	[simem:s6], [sflag:s4] =	dma.local [hbm:s3], $0xF7A  }
0x26: {  	[smem:$0x3F99] =	sst s1;
	(tag) =	ssettag s2;
	_ =	strace s9  }
0x27: {  	s1 =	sld [smem:$0x3FA9]  }
0x28: {  	s2 =	sld [smem:$0x3FAA]  }
0x29: {  	s4 =	sld [smem:$0x3FAC]  }
0x2a: {  	p0 =	seq.s32 s5, $0x0;
	s5 =	sld [smem:$0x3FAD]  }
0x2b: {  	s6 =	sld [smem:$0x3FAE]  }
0x2c: {  	s7 =	sld [smem:$0x3FAF]  }
0x2d: {  	s3 =	simm.s32 $0x108;
	s8 =	sld [smem:$0x3FB0]  }
0x2e: {  	s3 =	simm.s32 @!p0 $0x1082;
	s9 =	sld [smem:$0x3FB1]  }
0x2f: {  	lr =	sadd.s32 s0, s3;
	s0 =	sld [smem:$0x3FA8]  }
0x30: {  	s3 =	sld [smem:$0x3FAB]  }
0x31: {  	[smem:$0x3FB4] =	sst s10  }
0x32: {  	s10 =	sld [smem:$0x3FB2];
	_ =	sdelay $0x3  }
0x33: {  	p0 =	seq.s32 s10, $0x1;
	s10 =	sld [smem:$0x3FB4];
	_ =	sdelay $0x3  }
0x34: {  	[smem:$0x3FB4] =	sst s10  }
0x35: {  	s10 =	sld [smem:$0x3FB3];
	_ =	sdelay $0x3  }
0x36: {  	p1 =	seq.s32 s10, $0x1;
	s10 =	sld [smem:$0x3FB4];
	_ =	sdelay $0x3  }
0x37: {  	[smem:$0x3FB4] =	sst s10  }
0x38: {  	s10 =	sld [smem:$0x3FB5]  }
0x39: {  	_ = 	snop;
	(pc) =	sbr.ind lr, $3  }
0x3a: {  	_ = 	snop  }
0x3b: {  	_ = 	snop  }
0x3c: {  	p2 =	seq.s32 s10, $0x1;
	s10 =	sld [smem:$0x3FB4]  }
0x3d: {  	_ =	shalt  }
0x3e: {  	_ =	shalt  }
0x3f: {  	_ =	shalt  }
0x40: {  	_ =	shalt  }
0x41: {  	_ =	shalt  }
0x42: {  	_ =	shalt  }
0x43: {  	_ =	shalt  }
0x44: {  	_ =	shalt  }
0x45: {  	_ =	shalt  }
0x46: {  	_ =	shalt  }
0x47: {  	_ =	shalt  }
0x48: {  	_ =	shalt  }
0x49: {  	_ =	shalt  }
0x4a: {  	_ =	shalt  }
0x4b: {  	_ =	shalt  }
0x4c: {  	_ =	shalt  }
0x4d: {  	_ =	shalt  }
0x4e: {  	_ =	shalt  }
0x4f: {  	_ =	shalt  }
0x50: {  	_ =	shalt  }
0x51: {  	_ =	shalt  }
0x52: {  	_ =	shalt  }
0x53: {  	_ =	shalt  }
0x54: {  	_ =	shalt  }
0x55: {  	_ =	shalt  }
0x56: {  	_ =	shalt  }
0x57: {  	_ =	shalt  }
0x58: {  	_ =	shalt  }
0x59: {  	_ =	shalt  }
0x5a: {  	_ =	shalt  }
0x5b: {  	_ =	shalt  }
0x5c: {  	_ =	shalt  }
0x5d: {  	_ =	shalt  }
0x5e: {  	_ =	shalt  }
0x5f: {  	_ =	shalt  }
0x60: {  	_ =	shalt  }
0x61: {  	_ =	shalt  }
0x62: {  	_ =	shalt  }
0x63: {  	_ =	shalt  }
0x64: {  	_ =	shalt  }
0x65: {  	_ =	shalt  }
0x66: {  	_ =	shalt  }
0x67: {  	_ =	shalt  }
0x68: {  	_ =	shalt  }
0x69: {  	_ =	shalt  }
0x6a: {  	_ =	shalt  }
0x6b: {  	_ =	shalt  }
0x6c: {  	_ =	shalt  }
0x6d: {  	_ =	shalt  }
0x6e: {  	_ =	shalt  }
0x6f: {  	_ =	shalt  }
0x70: {  	_ =	shalt  }
0x71: {  	_ =	shalt  }
0x72: {  	_ =	shalt  }
0x73: {  	_ =	shalt  }
0x74: {  	_ =	shalt  }
0x75: {  	_ =	shalt  }
0x76: {  	_ =	shalt  }
0x77: {  	_ =	shalt  }
0x78: {  	_ =	shalt  }
0x79: {  	_ =	shalt  }
0x7a: {  	_ =	shalt  }
0x7b: {  	_ =	shalt  }
0x7c: {  	_ =	shalt  }
0x7d: {  	_ =	shalt  }
0x7e: {  	_ =	shalt  }
0x7f: {  	_ =	shalt  }
0x80: {  	_ =	shalt  }
0x81: {  	_ =	shalt  }
0x82: {  	_ =	shalt  }
0x83: {  	_ =	shalt  }
0x84: {  	_ =	shalt  }
0x85: {  	_ =	shalt  }
0x86: {  	_ =	shalt  }
0x87: {  	_ =	shalt  }
.Lfunc_end0:
.L_simem_size_0:
called_computation_lowered:
.L_overlay_start_0:
0x88: {  	s2 =	sld [smem:$0x3FD9]  }
0x89: {  	s3 =	sld [smem:$0x3FFE];
	_ =	sdelay $0x1  }
0x8a: {  	s1 =	srdreg.scid  }
0x8b: {  	s0 =	sand.u32 $0x1, s1  }
0x8c: {  	s14 =	sshll.u32 s0, $0xA;
	s2 =	sadd.s32 s3, s2  }
0x8d: {  	s2 =	sadd.s32 s2, s14  }
0x8e: {  	[smem:$0x3FC0] =	sst s2  }
0x8f: {  	_ = 	snop  }
0x90: {  	s2 =	sld [smem:$0x3FD0];
	_ =	sdelay $0x2  }
0x91: {  	s15 =	simm.s32 $0xA;
	s4 =	simm.s32 $0x10  }
0x92: {  	[smem:s4], [sflag:s15] =	dma.local [hbm:s2], $0x1  }
0x93: {  	_ =	swait.eq [sflag:s15], $0x1  }
0x94: {  	[sflag:s15] =	ssyncset.done $0x0  }
0x95: {  	[sflag:s15] =	ssyncadd.s32 $0xFFFFFFFF  }
0x96: {  	s16 =	sld [smem:$0x11];
	(tm) =	ssettm $0x1  }
0x97: {  	s17 =	sld [smem:$0x3FFB];
	_ =	sdelay $0x3  }
0x98: {  	_ =	strace s17  }
0x99: {  	s3 =	sld [smem:$0x3FFC];
	_ =	sdelay $0x3  }
0x9a: {  	_ =	strace s3  }
0x9b: {  	s3 =	sld [smem:$0x3FFD];
	_ =	sdelay $0x3  }
0x9c: {  	_ =	strace s3  }
0x9d: {  	_ =	strace $0x8FFFFFFF  }
0x9e: {  	s18 =	sld [smem:$0x3FDB];
	_ =	sdelay $0x1  }
0x9f: {  	s19 =	simm.s32 $_scs_section_size  }
0xa0: {  	s5 =	simm.s32 $_size__tile_overlayer_lowered;
	s6 =	simm.s32 $_tile_overlayer_lowered  }
0xa1: {  	s22 =	simm.s32 $0x1BFF;
	s21 =	sshll.u32 s6, $0x1;
	s3 =	sadd.s32 s19, s18  }
0xa2: {  	s7 =	simm.s32 $0x0;
	s20 =	sshll.u32 s5, $0x1;
	s5 =	sadd.s32 s21, s3  }
0xa3: {  	[timem:s7], [sflag:s22] =	dma.local [hbm:s5], s20  }
0xa4: {  	_ =	swait.ge [sflag:s22], s20  }
0xa5: {  	s4 =	ssub.s32 $0x0, s20;
	[sflag:s22] =	ssyncset.done $0x0  }
0xa6: {  	[sflag:s22] =	ssyncadd.s32 s4;
	_ =	sdelay $0x1  }
0xa7: {  	s23 =	simm.s32 $0x1B8B  }
0xa8: {  	_ =	swait.ge [sflag:s23], $0x1  }
0xa9: {  	[sflag:s23] =	ssyncset.done $0x0  }
0xaa: {  	s25 =	simm.s32 $0x1B8E;
	s24 =	sld [smem:$0x3FFE];
	[sflag:s23] =	ssyncadd.s32 $0xFFFFFFFF  }
0xab: {  	s26 =	simm.s32 $execute0_lowered;
	[smem:$0x3FD2] =	sst s25  }
0xac: {  	s5 =	sshll.u32 s26, $0x1;
	_ =	strace $0x80000046;
	[dreg:$0x1] =	wrdreg $0xFFFFFFFF  }
0xad: {  	s28 =	simm.s32 $_size_execute0_lowered;
	s3 =	sadd.s32 s3, s5;
	[dreg:$0x0] =	wrdreg $0x0  }
0xae: {  	s5 =	sshll.u32 s28, $0x1;
	[dreg:$0x2] =	wrdreg s3  }
0xaf: {  	[dreg:$0x3] =	wrdreg s5  }
0xb0: {  	[dreg:$0x4] =	wrdreg $0xC0  }
0xb1: {  	_ =	task [dreg:s7], $0x5FFFF  }
0xb2: {  	[dreg:$0x1] =	wrdreg $0xFFFFFFFF  }
0xb3: {  	[dreg:$0x0] =	wrdreg $0x60  }
0xb4: {  	[dreg:$0x2] =	wrdreg s16  }
0xb5: {  	[dreg:$0x3] =	wrdreg s24  }
0xb6: {  	[dreg:$0x4] =	wrdreg $0x68000  }
0xb7: {  	[dreg:$0x5] =	wrdreg $0x9  }
0xb8: {  	_ =	task.clear_ibuf [dreg:s7], $0x6FFFF;
	_ =	strace $0x90000046  }
0xb9: {  	s29 =	simm.s32 $0x9;
	_ =	strace $0x80000048  }
0xba: {  	_ =	swait.ge [sflag:s29], $0x1  }
0xbb: {  	[sflag:s29] =	ssyncadd.s32 $0xFFFFFFFF  }
0xbc: {  	_ =	strace $0x90000048  }
0xbd: {  	_ =	sfence  }
0xbe: {  	s30 =	sld [smem:$0x0];
	_ =	sdelay $0x2  }
0xbf: {  	s31 =	sshll.u32 s1, $0xD;
	s1 =	sshrl.u32 s1, $0x2  }
0xc0: {  	s3 =	sand.u32 $0x4000, s31;
	s1 =	sadd.s32 s1, s30  }
0xc1: {  	s0 =	sor.u32 s3, s0;
	s1 =	sshll.u32 s1, $0x11  }
0xc2: {  	s0 =	sor.u32 s1, s0  }
0xc3: {  	s0 =	sadd.s32 $0x8F2B, s0  }
0xc4: {  	[sflag:s0] =	ssyncadd.remote.s32 $0x1  }
0xc5: {  	_ =	sfence.sel $0xFFFF  }
0xc6: {  	[dreg:$0x0] =	wrdreg $0xFFFFFFFF;
	(pc) =	sbr.abs _section_cstart, $3  }
0xc7: {  	[dreg:$0x1] =	wrdreg $0xFFFFFFFF  }
0xc8: {  	_ =	task.clear_ibuf [dreg:s7], $0x2FFFF;
	_ =	strace $0x9FFFFFFF  }
0xc9: {  	(tm) =	ssettm $0x7FFFFFFF  }
tec
execute0_lowered:
.L_overlay_start_1:
0x0: {  	(tag) =	ssettag $0x1  }
0x1: {  	s6 =	rddreg [dreg:$0x0]  }
0x2: {  	s7 =	rddreg [dreg:$0x1]  }
0x3: {  	s1 =	rddreg [dreg:$0x2]  }
0x4: {  	s2 =	srdreg.scid;
	s0 =	rddreg [dreg:$0x3]  }
0x5: {  	s3 =	simm.s32 $0x0;
	s17 =	simm.s32 $0x80;
	s5 =	sand.u32 $0x1, s2  }
0x6: {  	s18 =	simm.s32 $0x0;
	s2 =	stileid.u32;
	s8 =	smul.u32 $0x140000, s5  }
0x7: {  	[smem:$0x7FF] =	sst s3;
	s9 =	smul.u32 $0x14000, s2;
	s4 =	sshll.u32 s5, $0x4  }
0x8: {  	_ =	strace $0x80000047;
	s28 =	ssub.s32 $0x2, s5;
	s11 =	smul.u32 $0x50000, s2  }
0x9: {  	s5 =	sadd.s32 $0x2800, s7;
	s31 =	sshll.u32 s2, $0x6;
	s10 =	sor.u32 s2, s4  }
0xa: {  	s4 =	sadd.s32 $0x3000, s7;
	s29 =	sshrl.u32 s28, $0x1;
	s8 =	sadd.s32 s9, s8  }
0xb: {  	s26 =	smul.u32 $0x500, s10;
	s30 =	sshrl.u32 s11, $0x2;
	s9 =	simm.s32 $0x2800  }
0xc: {  	s10 =	simm.s32 $0x1;
	s11 =	sor.u32 $0x1C01, s31;
	s8 =	sshrl.u32 s8, $0x3  }
0xd: {  	s12 =	sadd.s32 s30, s1;
	s7 =	sadd.s32 s8, s7;
	s8 =	ssub.s32 s28, s29  }
0xe: {  	s6 =	sadd.s32 s6, s26;
	s13 =	sadd.s32 $0x4000, s12;
	s14 =	sadd.s32 $0x8000, s12  }
0xf: {  	s15 =	sadd.s32 $0xC000, s12;
	s16 =	sadd.s32 $0x10000, s12;
	s12 =	sshrl.u32 s12, $0x3  }
0x10: {  	s7 =	sadd.s32 $0x3800, s7;
	s8 =	smax.u32 s8, $0x1;
	s13 =	sshrl.u32 s13, $0x3  }
0x11: {  	s14 =	sshrl.u32 s14, $0x3;
	s15 =	sshrl.u32 s15, $0x3;
	s16 =	sshrl.u32 s16, $0x3  }
.LBB2_1:
0x12: {  	[tilespmem:s9], [sflag:$0x1] =	stream.linear.gather [hbm4b:s4+s3], $0x4000, $0x38;
	[tilespmem:$0x1A800] =	vst v63  }
0x13: {  	_ =	swait.ge [sflag:s10], $0x4000  }
0x14: {  	[sflag:s10] =	ssyncset.done $0x0  }
0x15: {  	[sflag:s10] =	ssyncadd.s32 $0xFFFFC000  }
0x16: {  	[tilespmem:s3], [sflag:$0x1] =	stream.linear.gather [hbm4b:s6+s3], $0x2780, $0x38;
	[tilespmem:$0x1A800] =	vst v63  }
0x17: {  	_ =	swait.ge [sflag:s10], $0x2780  }
0x18: {  	[sflag:s10] =	ssyncset.done $0x0  }
0x19: {  	[sflag:s10] =	ssyncadd.s32 $0xFFFFD880  }
0x1a: {  	[spmem:s12], [sflag:s11] =	dma.local [hbm:s5], $0x800  }
0x1b: {  	_ =	swait.ge [sflag:s10], $0x800  }
0x1c: {  	[sflag:s10] =	ssyncset.done $0x0  }
0x1d: {  	[sflag:s10] =	ssyncadd.s32 $0xFFFFF800  }
0x1e: {  	[spmem:s13], [sflag:s11] =	dma.local [hbm:s5], $0x800  }
0x1f: {  	_ =	swait.ge [sflag:s10], $0x800  }
0x20: {  	[sflag:s10] =	ssyncset.done $0x0  }
0x21: {  	[sflag:s10] =	ssyncadd.s32 $0xFFFFF800  }
0x22: {  	[spmem:s14], [sflag:s11] =	dma.local [hbm:s5], $0x800  }
0x23: {  	_ =	swait.ge [sflag:s10], $0x800  }
0x24: {  	[sflag:s10] =	ssyncset.done $0x0  }
0x25: {  	[sflag:s10] =	ssyncadd.s32 $0xFFFFF800  }
0x26: {  	[spmem:s15], [sflag:s11] =	dma.local [hbm:s5], $0x800  }
0x27: {  	_ =	swait.ge [sflag:s10], $0x800  }
0x28: {  	[sflag:s10] =	ssyncset.done $0x0  }
0x29: {  	[sflag:s10] =	ssyncadd.s32 $0xFFFFF800  }
0x2a: {  	[spmem:s16], [sflag:s11] =	dma.local [hbm:s5], $0x800  }
0x2b: {  	_ =	swait.ge [sflag:s10], $0x800  }
0x2c: {  	[sflag:s10] =	ssyncset.done $0x0  }
0x2d: {  	[sflag:s10] =	ssyncadd.s32 $0xFFFFF800  }
0x2e: {  	s19 =	simm.s32 $0x0;
	[bflag:$0x0] =	sbarrier.arrive $0xFFFF  }
0x2f: {  	[spmem:s1] =	stream.indirect.scatter.add.f32 [tilespmem:s9], [sflag:$0x1], $0x80, s19, s17, $0xb8;
	[tilespmem:$0x1A800] =	vst v63  }
0x30: {  	_ =	swait.ge [sflag:s10], $0x4000  }
0x31: {  	s19 =	simm.s32 $0x200;
	[sflag:s10] =	ssyncset.done $0x0  }
.LBB2_2:
0x32: {  	s20 =	sshra.s32 s19, $0x2;
	[sflag:s10] =	ssyncadd.s32 $0xFFFFC000;
	p0 =	sne.s32 s19, $0x9C00  }
0x33: {  	[spmem:s1] =	stream.indirect.scatter.add.f32 [tilespmem:s9], [sflag:$0x1], $0x80, s20, s17, $0xb8;
	[tilespmem:$0x1A800] =	vst v63  }
.Ltmp0:
0x34: {  	_ = 	snop;
	(pc) =	sbr.rel @p0 .LBB2_2-.Ltmp0, $4  }
0x35: {  	_ = 	snop  }
0x36: {  	s19 =	sadd.s32 $0x200, s19  }
0x37: {  	_ =	swait.ge [sflag:s10], $0x4000  }
0x38: {  	[sflag:s10] =	ssyncset.done $0x0  }
0x39: {  	s18 =	sadd.s32 $0x1, s18  }
0x3a: {  	[sflag:s10] =	ssyncadd.s32 $0xFFFFC000;
	p0 =	sne.s32 s18, s8  }
.Ltmp1:
0x3b: {  	[bflag:$0x0] =	sbarrier.arrive $0xFFFF;
	(pc) =	sbr.rel @p0 .LBB2_1-.Ltmp1, $4  }
0x3c: {  	[hbm:s7], [sflag:s11] =	dma.local [spmem:s12], $0x2800  }
0x3d: {  	_ =	swait.ge [sflag:s10], $0x2800  }
0x3e: {  	[sflag:s10] =	ssyncset.done $0x0  }
0x3f: {  	[sflag:s10] =	ssyncadd.s32 $0xFFFFD800  }
0x40: {  	_ =	sfence.sel $0x180000  }
0x41: {  	[bflag:$0x0] =	sbarrier.arrive $0xFFFF  }
0x42: {  	p0 =	sne.s32 s2, $0x0;
	_ =	strace $0x90000047  }
0x43: {  	s0 =	sadd.s32 @!p0 $0x100000, s0;
	[bflag:$0x2] =	sbarrier.arrive $0xFFFF  }
0x44: {  	[sflag:s0] =	ssyncadd.tile.s32 @!p0 $0x1;
	_ =	shalt  }
.Lfunc_end2:
_tile_overlayer_lowered:
.L_overlay_start_2:
0x45: {  	(tag) =	ssettag $0x2  }
0x46: {  	s0 =	rddreg [dreg:$0x0];
	s2 =	stileid.u32  }
0x47: {  	s1 =	rddreg [dreg:$0x1];
	p0 =	sne.s32 s2, $0x0  }
0x48: {  	s3 =	rddreg [dreg:$0x2];
	[bflag:$0x3] =	sbarrier.arrive $0xFFFF;
	s2 =	simm.s32 @!p0 $0x1C01  }
0x49: {  	[timem:s3], [sflag:s2] =	dma.local @!p0 [hbm:s0], s1  }
0x4a: {  	s0 =	simm.s32 @!p0 $0x1  }
0x4b: {  	_ =	swait.ge @!p0 [sflag:s0], s1  }
0x4c: {  	s1 =	ssub.s32 @!p0 $0x0, s1;
	[sflag:s0] =	ssyncset.done @!p0 $0x0  }
0x4d: {  	[sflag:s0] =	ssyncadd.s32 @!p0 s1  }
0x4e: {  	[bflag:$0x3] =	sbarrier.arrive $0xFFFF  }
0x4f: {  	_ =	shalt  }

</sc_bundles>
